<compile_context>
chip_gen: v7x
topology: tpu7x:2x2x1
jax: 0.10.2.dev20260603
libtpu: 0.0.44.dev20260713+nightly
codegen_flags: <defaults>
</compile_context>

<pallas_src>
import functools

import jax
import jax.numpy as jnp
from jax import lax
from jax.experimental import pallas as pl
from jax.experimental.pallas import tpu as pltpu
from jax.experimental.pallas import tpu_sc as plsc

NUM_SAMPLES = 16


def _sc_gather(ids, adjT, centrality):
  B = ids.shape[0]
  D, N = adjT.shape
  info = plsc.get_sparse_core_info()
  NC, NS, L = info.num_cores, info.num_subcores, info.num_lanes
  NW = NC * NS
  assert D == NW and B % (8 * L) == 0
  CB = 4096
  assert B % CB == 0

  mesh = plsc.VectorSubcoreMesh(core_axis_name="c", subcore_axis_name="s")

  @functools.partial(
      pl.kernel,
      out_type=[
          jax.ShapeDtypeStruct((D, B), jnp.int32),
          jax.ShapeDtypeStruct((D, B), jnp.float32),
      ],
      mesh=mesh,
      compiler_params=pltpu.CompilerParams(
          needs_layout_passes=False, use_tc_tiling_on_sc=True),
      scratch_types=[
          pltpu.VMEM((CB,), jnp.int32),
          pltpu.VMEM((CB,), jnp.int32),
          pltpu.VMEM((CB,), jnp.int32),
          pltpu.VMEM((CB,), jnp.int32),
          pltpu.VMEM((CB,), jnp.float32),
          pltpu.VMEM((CB,), jnp.float32),
          pltpu.VMEM((N,), jnp.int32),
          pltpu.VMEM((N,), jnp.float32),
          pltpu.VMEM_SHARED((N,), jnp.float32),
          pltpu.VMEM_SHARED((B,), jnp.int32),
          pltpu.SemaphoreType.DMA,
          pltpu.SemaphoreType.DMA,
          pltpu.SemaphoreType.DMA,
          pltpu.SemaphoreType.DMA,
      ],
  )
  def k(ids_h, adjT_h, cent_h, adjT_o, scoT_o,
        ida_v, idb_v, nba_v, nbb_v, sca_v, scb_v, row_v, cent_v, cent_sh,
        ids_sh, sem_i, sem_r, sem_c, sem_o):
    sid = lax.axis_index("s")
    d = sid * NC + lax.axis_index("c")
    row_cp = pltpu.async_copy(adjT_h.at[d], row_v, sem_r)
    SL = 3200
    off = jnp.where(sid == NS - 1, N - SL, sid * SL)
    pltpu.sync_copy(cent_h.at[pl.ds(off, SL)], cent_v.at[pl.ds(off, SL)])
    pltpu.sync_copy(cent_v.at[pl.ds(off, SL)], cent_sh.at[pl.ds(off, SL)])
    ISL = B // NS
    ioff = sid * ISL
    pltpu.sync_copy(ids_h.at[pl.ds(ioff, ISL)], ida_v.at[pl.ds(0, ISL)])
    pltpu.sync_copy(ida_v.at[pl.ds(0, ISL)], ids_sh.at[pl.ds(ioff, ISL)])
    plsc.subcore_barrier()
    cent_cp = pltpu.async_copy(cent_sh, cent_v, sem_c)
    pltpu.sync_copy(ids_sh.at[pl.ds(0, CB)], ida_v)
    row_cp.wait()
    cent_cp.wait()

    nchunks = B // CB
    ibufs = (ida_v, idb_v)
    obufs = ((nba_v, sca_v), (nbb_v, scb_v))

    for ch in range(nchunks):
      cur = ibufs[ch % 2]
      nbr_v, sco_v = obufs[ch % 2]
      if ch + 1 < nchunks:
        nxt_cp = pltpu.async_copy(
            ids_sh.at[pl.ds((ch + 1) * CB, CB)], ibufs[(ch + 1) % 2], sem_i)
      if ch >= 2:
        pltpu.make_async_copy(nbr_v, adjT_o.at[d, pl.ds((ch - 2) * CB, CB)],
                              sem_o).wait()
        pltpu.make_async_copy(sco_v, scoT_o.at[d, pl.ds((ch - 2) * CB, CB)],
                              sem_o).wait()

      @plsc.parallel_loop(0, CB, L, unroll=4)
      def _(t, cur=cur, nbr_v=nbr_v, sco_v=sco_v):
        idvec = cur[pl.ds(t, L)]
        nbr = plsc.load_gather(row_v, [idvec])
        nbr_v[pl.ds(t, L)] = nbr
        sco_v[pl.ds(t, L)] = plsc.load_gather(cent_v, [nbr])

      pltpu.async_copy(nbr_v, adjT_o.at[d, pl.ds(ch * CB, CB)], sem_o)
      pltpu.async_copy(sco_v, scoT_o.at[d, pl.ds(ch * CB, CB)], sem_o)
      if ch + 1 < nchunks:
        nxt_cp.wait()

    for ch in (nchunks - 2, nchunks - 1):
      nbr_v, sco_v = obufs[ch % 2]
      pltpu.make_async_copy(nbr_v, adjT_o.at[d, pl.ds(ch * CB, CB)],
                            sem_o).wait()
      pltpu.make_async_copy(sco_v, scoT_o.at[d, pl.ds(ch * CB, CB)],
                            sem_o).wait()

  return k(ids, adjT, centrality)


def _tc_select(adjT, scoT):
  D, B = adjT.shape
  BW = 4096
  assert B % BW == 0

  def body(adj_ref, sco_ref, out_ref):
    a = adj_ref[...]
    s2 = lax.bitcast_convert_type(sco_ref[...], jnp.int32) * 2
    row = lax.broadcasted_iota(jnp.int32, (D, 1), 0)
    rank = jnp.zeros((D, BW), jnp.int32)
    for j in range(D):
      tie = (row > j).astype(jnp.int32)
      kj = s2[j:j + 1, :] + tie
      rank = rank + (kj > s2).astype(jnp.int32)
    for p in range(NUM_SAMPLES):
      sel = jnp.where(rank == p, a, 0)
      out_ref[p:p + 1, :] = jnp.sum(sel, axis=0, keepdims=True)

  return pl.pallas_call(
      body,
      grid=(B // BW,),
      in_specs=[
          pl.BlockSpec((D, BW), lambda g: (0, g)),
          pl.BlockSpec((D, BW), lambda g: (0, g)),
      ],
      out_specs=pl.BlockSpec((NUM_SAMPLES, BW), lambda g: (0, g)),
      out_shape=jax.ShapeDtypeStruct((NUM_SAMPLES, B), jnp.int32),
  )(adjT, scoT)


def kernel(ids, num_samples, adj_info, centrality):
  del num_samples
  adjT, scoT = _sc_gather(ids, adj_info.T, centrality)
  outT = _tc_select(adjT, scoT)
  return outT.T

# --- scband reference (transcript-rebuilt; emitter-appended) ---
"""Pipeline reference for scband-neighbor-sampler-14559939133495 (READ-ONLY COPY).

The authoritative reference and input builder live on the scoring server;
editing this copy changes nothing except your own understanding.
"""

import jax, jax.numpy as jnp
import numpy as np

N_NODES = 50000
MAX_DEGREE = 32
BATCH = 16384

def setup_inputs(seed: int = 0) -> dict:
    key = jax.random.key(seed)
    k1, k2, k3 = jax.random.split(key, 3)
    ids = jax.random.randint(k1, (BATCH,), 0, N_NODES, dtype=jnp.int64 if jax.config.jax_enable_x64 else jnp.int32).astype(jnp.int32)
    adj_info = jax.random.randint(k2, (N_NODES, MAX_DEGREE), 0, N_NODES).astype(jnp.int32)
    centrality = jax.random.uniform(k3, (N_NODES,), dtype=jnp.float32)
    return {"ids": ids, "num_samples": 16, "adj_info": adj_info, "centrality": centrality}

def reference(ids, num_samples, adj_info, centrality):
    # adj_lists = tf.nn.embedding_lookup(adj_info, ids)
    adj_lists = jnp.take(adj_info, ids, axis=0)  # [B, D]
    max_node_id = centrality.shape[0] - 1
    adj_lists = jnp.clip(adj_lists, 0, max_node_id)
    # centrality_scores = tf.gather(centrality_tensor, adj_lists)
    centrality_scores = jnp.take(centrality, adj_lists)  # [B, D]
    # full-width sorted top_k to get descending order by centrality
    _, sorted_indices = jax.lax.top_k(centrality_scores, centrality_scores.shape[1])
    # gather_nd equivalent: reorder each row of adj_lists by sorted_indices
    sorted_adj_lists = jnp.take_along_axis(adj_lists, sorted_indices, axis=1)
    # slice top num_samples neighbors
    NUM_SAMPLES_STATIC = 16
    top_neighbors = sorted_adj_lists[:, :NUM_SAMPLES_STATIC]
    col_ids = jnp.arange(NUM_SAMPLES_STATIC, dtype=jnp.int32)
    top_neighbors = jnp.where(col_ids[None, :] < num_samples, top_neighbors, top_neighbors)
    return top_neighbors

if __name__ == "__main__":
    import jax
    _d = setup_inputs()
    print(jax.jit(kernel)(*tuple(_d.values())))

</pallas_src>

<mosaic_0001>
#map = affine_map<(d0, d1) -> (0)>
#map1 = affine_map<(d0, d1) -> (0, 0)>
module attributes {stable_mosaic.version = 14 : i64} {
  func.func @k(%arg0: i32, %arg1: i32, %arg2: memref<16384xi32, #tpu.memory_space<hbm>>, %arg3: memref<32x50000xi32, #tpu.memory_space<hbm>>, %arg4: memref<50000xf32, #tpu.memory_space<hbm>>, %arg5: memref<32x16384xi32, #tpu.memory_space<hbm>>, %arg6: memref<32x16384xf32, #tpu.memory_space<hbm>>, %arg7: memref<4096xi32, #tpu.memory_space<vmem>>, %arg8: memref<4096xi32, #tpu.memory_space<vmem>>, %arg9: memref<4096xi32, #tpu.memory_space<vmem>>, %arg10: memref<4096xi32, #tpu.memory_space<vmem>>, %arg11: memref<4096xf32, #tpu.memory_space<vmem>>, %arg12: memref<4096xf32, #tpu.memory_space<vmem>>, %arg13: memref<50000xi32, #tpu.memory_space<vmem>>, %arg14: memref<50000xf32, #tpu.memory_space<vmem>>, %arg15: memref<50000xf32, #tpu.memory_space<vmem_shared>>, %arg16: memref<16384xi32, #tpu.memory_space<vmem_shared>>, %arg17: memref<!tpu.dma_semaphore, #tpu.memory_space<semaphore_mem>>, %arg18: memref<!tpu.dma_semaphore, #tpu.memory_space<semaphore_mem>>, %arg19: memref<!tpu.dma_semaphore, #tpu.memory_space<semaphore_mem>>, %arg20: memref<!tpu.dma_semaphore, #tpu.memory_space<semaphore_mem>>) attributes {dimension_semantics = [#tpu.dimension_semantics<core_parallel>, #tpu.dimension_semantics<subcore_parallel>], iteration_bounds = array<i64: 2, 16>, scalar_prefetch = 0 : i64, scratch_operands = 14 : i64, tpu.core_type = #tpu.core_type<sc_vector_subcore>, window_params = [{transform_indices = #map}, {transform_indices = #map1}, {transform_indices = #map}, {transform_indices = #map1}, {transform_indices = #map1}]} {
    %mul3A = arith.constant 2 : i32
    %mul3A_0 = arith.muli %arg1, %mul3A : i32
    %add3A = arith.addi %mul3A_0, %arg0 : i32
    %dma_start3A = arith.constant 0 : i32
    %dma_start3A_1 = tpu.memref_slice %arg3[%add3A, %dma_start3A] : memref<32x50000xi32, #tpu.memory_space<hbm>> -> memref<1x50000xi32, #tpu.memory_space<hbm>>
    %dma_start3A_2 = tpu.memref_squeeze %dma_start3A_1 : memref<1x50000xi32, #tpu.memory_space<hbm>> -> memref<50000xi32, #tpu.memory_space<hbm>>
    %dma_start3A_3 = arith.constant 0 : i32
    %dma_start3A_4 = tpu.memref_slice %arg3[%add3A, %dma_start3A_3] : memref<32x50000xi32, #tpu.memory_space<hbm>> -> memref<1x50000xi32, #tpu.memory_space<hbm>>
    %dma_start3A_5 = tpu.memref_squeeze %dma_start3A_4 : memref<1x50000xi32, #tpu.memory_space<hbm>> -> memref<50000xi32, #tpu.memory_space<hbm>>
    tpu.enqueue_dma source(%dma_start3A_5 : memref<50000xi32, #tpu.memory_space<hbm>>) target(%arg13 : memref<50000xi32, #tpu.memory_space<vmem>>) target_semaphore(%arg18 : memref<!tpu.dma_semaphore, #tpu.memory_space<semaphore_mem>>)
    %eq3A = arith.constant 15 : i32
    %eq3A_6 = arith.cmpi eq, %arg1, %eq3A : i32
    %mul3A_7 = arith.constant 3200 : i32
    %mul3A_8 = arith.muli %arg1, %mul3A_7 : i32
    %jit3A = arith.constant 46800 : i32
    %select_n3A = arith.select %eq3A_6, %jit3A, %mul3A_8 : i32
    "tpu.region"() ({
      %run_scoped3A = tpu.sem_alloc : memref<!tpu.dma_semaphore, #tpu.memory_space<semaphore_mem>>
      %dma_start3A_147 = tpu.memref_slice %arg14[%select_n3A] : memref<50000xf32, #tpu.memory_space<vmem>> -> memref<3200xf32, #tpu.memory_space<vmem>>
      %dma_start3A_148 = tpu.memref_slice %arg4[%select_n3A] : memref<50000xf32, #tpu.memory_space<hbm>> -> memref<3200xf32, #tpu.memory_space<hbm>>
      %dma_start3A_149 = tpu.memref_slice %arg14[%select_n3A] : memref<50000xf32, #tpu.memory_space<vmem>> -> memref<3200xf32, #tpu.memory_space<vmem>>
      %dma_start3A_150 = tpu.memref_slice %arg4[%select_n3A] : memref<50000xf32, #tpu.memory_space<hbm>> -> memref<3200xf32, #tpu.memory_space<hbm>>
      tpu.enqueue_dma source(%dma_start3A_150 : memref<3200xf32, #tpu.memory_space<hbm>>) target(%dma_start3A_149 : memref<3200xf32, #tpu.memory_space<vmem>>) target_semaphore(%run_scoped3A : memref<!tpu.dma_semaphore, #tpu.memory_space<semaphore_mem>>)
      %dma_wait3A_151 = tpu.memref_slice %arg14[%select_n3A] : memref<50000xf32, #tpu.memory_space<vmem>> -> memref<3200xf32, #tpu.memory_space<vmem>>
      %dma_wait3A_152 = tpu.memref_slice %arg4[%select_n3A] : memref<50000xf32, #tpu.memory_space<hbm>> -> memref<3200xf32, #tpu.memory_space<hbm>>
      %dma_wait3A_153 = tpu.memref_slice %arg14[%select_n3A] : memref<50000xf32, #tpu.memory_space<vmem>> -> memref<3200xf32, #tpu.memory_space<vmem>>
      %dma_wait3A_154 = tpu.memref_slice %arg4[%select_n3A] : memref<50000xf32, #tpu.memory_space<hbm>> -> memref<3200xf32, #tpu.memory_space<hbm>>
      tpu.wait_dma2 semaphore(%run_scoped3A : memref<!tpu.dma_semaphore, #tpu.memory_space<semaphore_mem>>) src(%dma_wait3A_154 : memref<3200xf32, #tpu.memory_space<hbm>>) dst(%dma_wait3A_153 : memref<3200xf32, #tpu.memory_space<vmem>>)
      tpu.yield
    }) : () -> ()
    "tpu.region"() ({
      %run_scoped3A = tpu.sem_alloc : memref<!tpu.dma_semaphore, #tpu.memory_space<semaphore_mem>>
      %dma_start3A_147 = tpu.memref_slice %arg14[%select_n3A] : memref<50000xf32, #tpu.memory_space<vmem>> -> memref<3200xf32, #tpu.memory_space<vmem>>
      %dma_start3A_148 = tpu.memref_slice %arg15[%select_n3A] : memref<50000xf32, #tpu.memory_space<vmem_shared>> -> memref<3200xf32, #tpu.memory_space<vmem_shared>>
      %dma_start3A_149 = tpu.memref_slice %arg15[%select_n3A] : memref<50000xf32, #tpu.memory_space<vmem_shared>> -> memref<3200xf32, #tpu.memory_space<vmem_shared>>
      %dma_start3A_150 = tpu.memref_slice %arg14[%select_n3A] : memref<50000xf32, #tpu.memory_space<vmem>> -> memref<3200xf32, #tpu.memory_space<vmem>>
      tpu.enqueue_dma source(%dma_start3A_150 : memref<3200xf32, #tpu.memory_space<vmem>>) target(%dma_start3A_149 : memref<3200xf32, #tpu.memory_space<vmem_shared>>) target_semaphore(%run_scoped3A : memref<!tpu.dma_semaphore, #tpu.memory_space<semaphore_mem>>)
      %dma_wait3A_151 = tpu.memref_slice %arg14[%select_n3A] : memref<50000xf32, #tpu.memory_space<vmem>> -> memref<3200xf32, #tpu.memory_space<vmem>>
      %dma_wait3A_152 = tpu.memref_slice %arg15[%select_n3A] : memref<50000xf32, #tpu.memory_space<vmem_shared>> -> memref<3200xf32, #tpu.memory_space<vmem_shared>>
      %dma_wait3A_153 = tpu.memref_slice %arg15[%select_n3A] : memref<50000xf32, #tpu.memory_space<vmem_shared>> -> memref<3200xf32, #tpu.memory_space<vmem_shared>>
      %dma_wait3A_154 = tpu.memref_slice %arg14[%select_n3A] : memref<50000xf32, #tpu.memory_space<vmem>> -> memref<3200xf32, #tpu.memory_space<vmem>>
      tpu.wait_dma2 semaphore(%run_scoped3A : memref<!tpu.dma_semaphore, #tpu.memory_space<semaphore_mem>>) src(%dma_wait3A_154 : memref<3200xf32, #tpu.memory_space<vmem>>) dst(%dma_wait3A_153 : memref<3200xf32, #tpu.memory_space<vmem_shared>>)
      tpu.yield
    }) : () -> ()
    %mul3A_9 = arith.constant 1024 : i32
    %mul3A_10 = arith.muli %arg1, %mul3A_9 : i32
    "tpu.region"() ({
      %run_scoped3A = tpu.sem_alloc : memref<!tpu.dma_semaphore, #tpu.memory_space<semaphore_mem>>
      %dma_start3A_147 = arith.constant 0 : i32
      %dma_start3A_148 = tpu.memref_slice %arg7[%dma_start3A_147] : memref<4096xi32, #tpu.memory_space<vmem>> -> memref<1024xi32, #tpu.memory_space<vmem>>
      %dma_start3A_149 = tpu.memref_slice %arg2[%mul3A_10] : memref<16384xi32, #tpu.memory_space<hbm>> -> memref<1024xi32, #tpu.memory_space<hbm>>
      %dma_start3A_150 = arith.constant 0 : i32
      %dma_start3A_151 = tpu.memref_slice %arg7[%dma_start3A_150] : memref<4096xi32, #tpu.memory_space<vmem>> -> memref<1024xi32, #tpu.memory_space<vmem>>
      %dma_start3A_152 = tpu.memref_slice %arg2[%mul3A_10] : memref<16384xi32, #tpu.memory_space<hbm>> -> memref<1024xi32, #tpu.memory_space<hbm>>
      tpu.enqueue_dma source(%dma_start3A_152 : memref<1024xi32, #tpu.memory_space<hbm>>) target(%dma_start3A_151 : memref<1024xi32, #tpu.memory_space<vmem>>) target_semaphore(%run_scoped3A : memref<!tpu.dma_semaphore, #tpu.memory_space<semaphore_mem>>)
      %dma_wait3A_153 = arith.constant 0 : i32
      %dma_wait3A_154 = tpu.memref_slice %arg7[%dma_wait3A_153] : memref<4096xi32, #tpu.memory_space<vmem>> -> memref<1024xi32, #tpu.memory_space<vmem>>
      %dma_wait3A_155 = tpu.memref_slice %arg2[%mul3A_10] : memref<16384xi32, #tpu.memory_space<hbm>> -> memref<1024xi32, #tpu.memory_space<hbm>>
      %dma_wait3A_156 = arith.constant 0 : i32
      %dma_wait3A_157 = tpu.memref_slice %arg7[%dma_wait3A_156] : memref<4096xi32, #tpu.memory_space<vmem>> -> memref<1024xi32, #tpu.memory_space<vmem>>
      %dma_wait3A_158 = tpu.memref_slice %arg2[%mul3A_10] : memref<16384xi32, #tpu.memory_space<hbm>> -> memref<1024xi32, #tpu.memory_space<hbm>>
      tpu.wait_dma2 semaphore(%run_scoped3A : memref<!tpu.dma_semaphore, #tpu.memory_space<semaphore_mem>>) src(%dma_wait3A_158 : memref<1024xi32, #tpu.memory_space<hbm>>) dst(%dma_wait3A_157 : memref<1024xi32, #tpu.memory_space<vmem>>)
      tpu.yield
    }) : () -> ()
    "tpu.region"() ({
      %run_scoped3A = tpu.sem_alloc : memref<!tpu.dma_semaphore, #tpu.memory_space<semaphore_mem>>
      %dma_start3A_147 = arith.constant 0 : i32
      %dma_start3A_148 = tpu.memref_slice %arg7[%dma_start3A_147] : memref<4096xi32, #tpu.memory_space<vmem>> -> memref<1024xi32, #tpu.memory_space<vmem>>
      %dma_start3A_149 = tpu.memref_slice %arg16[%mul3A_10] : memref<16384xi32, #tpu.memory_space<vmem_shared>> -> memref<1024xi32, #tpu.memory_space<vmem_shared>>
      %dma_start3A_150 = tpu.memref_slice %arg16[%mul3A_10] : memref<16384xi32, #tpu.memory_space<vmem_shared>> -> memref<1024xi32, #tpu.memory_space<vmem_shared>>
      %dma_start3A_151 = arith.constant 0 : i32
      %dma_start3A_152 = tpu.memref_slice %arg7[%dma_start3A_151] : memref<4096xi32, #tpu.memory_space<vmem>> -> memref<1024xi32, #tpu.memory_space<vmem>>
      tpu.enqueue_dma source(%dma_start3A_152 : memref<1024xi32, #tpu.memory_space<vmem>>) target(%dma_start3A_150 : memref<1024xi32, #tpu.memory_space<vmem_shared>>) target_semaphore(%run_scoped3A : memref<!tpu.dma_semaphore, #tpu.memory_space<semaphore_mem>>)
      %dma_wait3A_153 = arith.constant 0 : i32
      %dma_wait3A_154 = tpu.memref_slice %arg7[%dma_wait3A_153] : memref<4096xi32, #tpu.memory_space<vmem>> -> memref<1024xi32, #tpu.memory_space<vmem>>
      %dma_wait3A_155 = tpu.memref_slice %arg16[%mul3A_10] : memref<16384xi32, #tpu.memory_space<vmem_shared>> -> memref<1024xi32, #tpu.memory_space<vmem_shared>>
      %dma_wait3A_156 = tpu.memref_slice %arg16[%mul3A_10] : memref<16384xi32, #tpu.memory_space<vmem_shared>> -> memref<1024xi32, #tpu.memory_space<vmem_shared>>
      %dma_wait3A_157 = arith.constant 0 : i32
      %dma_wait3A_158 = tpu.memref_slice %arg7[%dma_wait3A_157] : memref<4096xi32, #tpu.memory_space<vmem>> -> memref<1024xi32, #tpu.memory_space<vmem>>
      tpu.wait_dma2 semaphore(%run_scoped3A : memref<!tpu.dma_semaphore, #tpu.memory_space<semaphore_mem>>) src(%dma_wait3A_158 : memref<1024xi32, #tpu.memory_space<vmem>>) dst(%dma_wait3A_156 : memref<1024xi32, #tpu.memory_space<vmem_shared>>)
      tpu.yield
    }) : () -> ()
    %barrier3A = arith.constant 0 : index
    tpu.barrier barrier_id(%barrier3A)
    tpu.enqueue_dma source(%arg15 : memref<50000xf32, #tpu.memory_space<vmem_shared>>) target(%arg14 : memref<50000xf32, #tpu.memory_space<vmem>>) target_semaphore(%arg19 : memref<!tpu.dma_semaphore, #tpu.memory_space<semaphore_mem>>)
    "tpu.region"() ({
      %run_scoped3A = tpu.sem_alloc : memref<!tpu.dma_semaphore, #tpu.memory_space<semaphore_mem>>
      %dma_start3A_147 = arith.constant 0 : i32
      %dma_start3A_148 = tpu.memref_slice %arg16[%dma_start3A_147] : memref<16384xi32, #tpu.memory_space<vmem_shared>> -> memref<4096xi32, #tpu.memory_space<vmem_shared>>
      %dma_start3A_149 = arith.constant 0 : i32
      %dma_start3A_150 = tpu.memref_slice %arg16[%dma_start3A_149] : memref<16384xi32, #tpu.memory_space<vmem_shared>> -> memref<4096xi32, #tpu.memory_space<vmem_shared>>
      tpu.enqueue_dma source(%dma_start3A_150 : memref<4096xi32, #tpu.memory_space<vmem_shared>>) target(%arg7 : memref<4096xi32, #tpu.memory_space<vmem>>) target_semaphore(%run_scoped3A : memref<!tpu.dma_semaphore, #tpu.memory_space<semaphore_mem>>)
      %dma_wait3A_151 = arith.constant 0 : i32
      %dma_wait3A_152 = tpu.memref_slice %arg16[%dma_wait3A_151] : memref<16384xi32, #tpu.memory_space<vmem_shared>> -> memref<4096xi32, #tpu.memory_space<vmem_shared>>
      %dma_wait3A_153 = arith.constant 0 : i32
      %dma_wait3A_154 = tpu.memref_slice %arg16[%dma_wait3A_153] : memref<16384xi32, #tpu.memory_space<vmem_shared>> -> memref<4096xi32, #tpu.memory_space<vmem_shared>>
      tpu.wait_dma2 semaphore(%run_scoped3A : memref<!tpu.dma_semaphore, #tpu.memory_space<semaphore_mem>>) src(%dma_wait3A_154 : memref<4096xi32, #tpu.memory_space<vmem_shared>>) dst(%arg7 : memref<4096xi32, #tpu.memory_space<vmem>>)
      tpu.yield
    }) : () -> ()
    %dma_wait3A = arith.constant 0 : i32
    %dma_wait3A_11 = tpu.memref_slice %arg3[%add3A, %dma_wait3A] : memref<32x50000xi32, #tpu.memory_space<hbm>> -> memref<1x50000xi32, #tpu.memory_space<hbm>>
    %dma_wait3A_12 = tpu.memref_squeeze %dma_wait3A_11 : memref<1x50000xi32, #tpu.memory_space<hbm>> -> memref<50000xi32, #tpu.memory_space<hbm>>
    %dma_wait3A_13 = arith.constant 0 : i32
    %dma_wait3A_14 = tpu.memref_slice %arg3[%add3A, %dma_wait3A_13] : memref<32x50000xi32, #tpu.memory_space<hbm>> -> memref<1x50000xi32, #tpu.memory_space<hbm>>
    %dma_wait3A_15 = tpu.memref_squeeze %dma_wait3A_14 : memref<1x50000xi32, #tpu.memory_space<hbm>> -> memref<50000xi32, #tpu.memory_space<hbm>>
    tpu.wait_dma2 semaphore(%arg18 : memref<!tpu.dma_semaphore, #tpu.memory_space<semaphore_mem>>) src(%dma_wait3A_15 : memref<50000xi32, #tpu.memory_space<hbm>>) dst(%arg13 : memref<50000xi32, #tpu.memory_space<vmem>>)
    tpu.wait_dma2 semaphore(%arg19 : memref<!tpu.dma_semaphore, #tpu.memory_space<semaphore_mem>>) src(%arg15 : memref<50000xf32, #tpu.memory_space<vmem_shared>>) dst(%arg14 : memref<50000xf32, #tpu.memory_space<vmem>>)
    %dma_start3A_16 = arith.constant 4096 : i32
    %dma_start3A_17 = tpu.memref_slice %arg16[%dma_start3A_16] : memref<16384xi32, #tpu.memory_space<vmem_shared>> -> memref<4096xi32, #tpu.memory_space<vmem_shared>>
    %dma_start3A_18 = arith.constant 4096 : i32
    %dma_start3A_19 = tpu.memref_slice %arg16[%dma_start3A_18] : memref<16384xi32, #tpu.memory_space<vmem_shared>> -> memref<4096xi32, #tpu.memory_space<vmem_shared>>
    tpu.enqueue_dma source(%dma_start3A_19 : memref<4096xi32, #tpu.memory_space<vmem_shared>>) target(%arg8 : memref<4096xi32, #tpu.memory_space<vmem>>) target_semaphore(%arg17 : memref<!tpu.dma_semaphore, #tpu.memory_space<semaphore_mem>>)
    %parallel_loop3A = arith.constant 0 : i32
    %parallel_loop3A_20 = arith.constant 4096 : i32
    %parallel_loop3A_21 = arith.constant 16 : i32
    scf.for %parallel_loop3A_147 = %parallel_loop3A to %parallel_loop3A_20 step %parallel_loop3A_21  : i32 {
      %parallel_loop3A_148 = arith.index_cast %parallel_loop3A_147 : i32 to index
      %parallel_loop3A_149 = tpu.vector_load %arg7[%parallel_loop3A_148] {strides = array<i32>} : memref<4096xi32, #tpu.memory_space<vmem>>, vector<16xi32>,
      %parallel_loop3A_150 = tpu.vector_load_idx %arg13[%parallel_loop3A_149] : memref<50000xi32, #tpu.memory_space<vmem>>[vector<16xi32>], vector<16xi32>,
      %parallel_loop3A_151 = arith.index_cast %parallel_loop3A_147 : i32 to index
      %parallel_loop3A_152 = tpu.vector_load %arg9[%parallel_loop3A_151] {strides = array<i32>} : memref<4096xi32, #tpu.memory_space<vmem>>, vector<16xi32>,
      tpu.vector_store %arg9[%parallel_loop3A_151], %parallel_loop3A_150 {strides = array<i32>} : memref<4096xi32, #tpu.memory_space<vmem>>, vector<16xi32>,
      %parallel_loop3A_153 = tpu.vector_load_idx %arg14[%parallel_loop3A_150] : memref<50000xf32, #tpu.memory_space<vmem>>[vector<16xi32>], vector<16xf32>,
      %parallel_loop3A_154 = arith.index_cast %parallel_loop3A_147 : i32 to index
      %parallel_loop3A_155 = tpu.vector_load %arg11[%parallel_loop3A_154] {strides = array<i32>} : memref<4096xf32, #tpu.memory_space<vmem>>, vector<16xf32>,
      tpu.vector_store %arg11[%parallel_loop3A_154], %parallel_loop3A_153 {strides = array<i32>} : memref<4096xf32, #tpu.memory_space<vmem>>, vector<16xf32>,
    } {sc.loop_unroll_factor = 4 : i64, sc.parallel_access}
    %dma_start3A_22 = arith.constant 0 : i32
    %dma_start3A_23 = tpu.memref_slice %arg5[%add3A, %dma_start3A_22] : memref<32x16384xi32, #tpu.memory_space<hbm>> -> memref<1x4096xi32, #tpu.memory_space<hbm>>
    %dma_start3A_24 = tpu.memref_squeeze %dma_start3A_23 : memref<1x4096xi32, #tpu.memory_space<hbm>> -> memref<4096xi32, #tpu.memory_space<hbm>>
    %dma_start3A_25 = arith.constant 0 : i32
    %dma_start3A_26 = tpu.memref_slice %arg5[%add3A, %dma_start3A_25] : memref<32x16384xi32, #tpu.memory_space<hbm>> -> memref<1x4096xi32, #tpu.memory_space<hbm>>
    %dma_start3A_27 = tpu.memref_squeeze %dma_start3A_26 : memref<1x4096xi32, #tpu.memory_space<hbm>> -> memref<4096xi32, #tpu.memory_space<hbm>>
    tpu.enqueue_dma source(%arg9 : memref<4096xi32, #tpu.memory_space<vmem>>) target(%dma_start3A_27 : memref<4096xi32, #tpu.memory_space<hbm>>) target_semaphore(%arg20 : memref<!tpu.dma_semaphore, #tpu.memory_space<semaphore_mem>>)
    %dma_start3A_28 = arith.constant 0 : i32
    %dma_start3A_29 = tpu.memref_slice %arg6[%add3A, %dma_start3A_28] : memref<32x16384xf32, #tpu.memory_space<hbm>> -> memref<1x4096xf32, #tpu.memory_space<hbm>>
    %dma_start3A_30 = tpu.memref_squeeze %dma_start3A_29 : memref<1x4096xf32, #tpu.memory_space<hbm>> -> memref<4096xf32, #tpu.memory_space<hbm>>
    %dma_start3A_31 = arith.constant 0 : i32
    %dma_start3A_32 = tpu.memref_slice %arg6[%add3A, %dma_start3A_31] : memref<32x16384xf32, #tpu.memory_space<hbm>> -> memref<1x4096xf32, #tpu.memory_space<hbm>>
    %dma_start3A_33 = tpu.memref_squeeze %dma_start3A_32 : memref<1x4096xf32, #tpu.memory_space<hbm>> -> memref<4096xf32, #tpu.memory_space<hbm>>
    tpu.enqueue_dma source(%arg11 : memref<4096xf32, #tpu.memory_space<vmem>>) target(%dma_start3A_33 : memref<4096xf32, #tpu.memory_space<hbm>>) target_semaphore(%arg20 : memref<!tpu.dma_semaphore, #tpu.memory_space<semaphore_mem>>)
    %dma_wait3A_34 = arith.constant 4096 : i32
    %dma_wait3A_35 = tpu.memref_slice %arg16[%dma_wait3A_34] : memref<16384xi32, #tpu.memory_space<vmem_shared>> -> memref<4096xi32, #tpu.memory_space<vmem_shared>>
    %dma_wait3A_36 = arith.constant 4096 : i32
    %dma_wait3A_37 = tpu.memref_slice %arg16[%dma_wait3A_36] : memref<16384xi32, #tpu.memory_space<vmem_shared>> -> memref<4096xi32, #tpu.memory_space<vmem_shared>>
    tpu.wait_dma2 semaphore(%arg17 : memref<!tpu.dma_semaphore, #tpu.memory_space<semaphore_mem>>) src(%dma_wait3A_37 : memref<4096xi32, #tpu.memory_space<vmem_shared>>) dst(%arg8 : memref<4096xi32, #tpu.memory_space<vmem>>)
    %dma_start3A_38 = arith.constant 8192 : i32
    %dma_start3A_39 = tpu.memref_slice %arg16[%dma_start3A_38] : memref<16384xi32, #tpu.memory_space<vmem_shared>> -> memref<4096xi32, #tpu.memory_space<vmem_shared>>
    %dma_start3A_40 = arith.constant 8192 : i32
    %dma_start3A_41 = tpu.memref_slice %arg16[%dma_start3A_40] : memref<16384xi32, #tpu.memory_space<vmem_shared>> -> memref<4096xi32, #tpu.memory_space<vmem_shared>>
    tpu.enqueue_dma source(%dma_start3A_41 : memref<4096xi32, #tpu.memory_space<vmem_shared>>) target(%arg7 : memref<4096xi32, #tpu.memory_space<vmem>>) target_semaphore(%arg17 : memref<!tpu.dma_semaphore, #tpu.memory_space<semaphore_mem>>)
    %parallel_loop3A_42 = arith.constant 0 : i32
    %parallel_loop3A_43 = arith.constant 4096 : i32
    %parallel_loop3A_44 = arith.constant 16 : i32
    scf.for %parallel_loop3A_147 = %parallel_loop3A_42 to %parallel_loop3A_43 step %parallel_loop3A_44  : i32 {
      %parallel_loop3A_148 = arith.index_cast %parallel_loop3A_147 : i32 to index
      %parallel_loop3A_149 = tpu.vector_load %arg8[%parallel_loop3A_148] {strides = array<i32>} : memref<4096xi32, #tpu.memory_space<vmem>>, vector<16xi32>,
      %parallel_loop3A_150 = tpu.vector_load_idx %arg13[%parallel_loop3A_149] : memref<50000xi32, #tpu.memory_space<vmem>>[vector<16xi32>], vector<16xi32>,
      %parallel_loop3A_151 = arith.index_cast %parallel_loop3A_147 : i32 to index
      %parallel_loop3A_152 = tpu.vector_load %arg10[%parallel_loop3A_151] {strides = array<i32>} : memref<4096xi32, #tpu.memory_space<vmem>>, vector<16xi32>,
      tpu.vector_store %arg10[%parallel_loop3A_151], %parallel_loop3A_150 {strides = array<i32>} : memref<4096xi32, #tpu.memory_space<vmem>>, vector<16xi32>,
      %parallel_loop3A_153 = tpu.vector_load_idx %arg14[%parallel_loop3A_150] : memref<50000xf32, #tpu.memory_space<vmem>>[vector<16xi32>], vector<16xf32>,
      %parallel_loop3A_154 = arith.index_cast %parallel_loop3A_147 : i32 to index
      %parallel_loop3A_155 = tpu.vector_load %arg12[%parallel_loop3A_154] {strides = array<i32>} : memref<4096xf32, #tpu.memory_space<vmem>>, vector<16xf32>,
      tpu.vector_store %arg12[%parallel_loop3A_154], %parallel_loop3A_153 {strides = array<i32>} : memref<4096xf32, #tpu.memory_space<vmem>>, vector<16xf32>,
    } {sc.loop_unroll_factor = 4 : i64, sc.parallel_access}
    %dma_start3A_45 = arith.constant 4096 : i32
    %dma_start3A_46 = tpu.memref_slice %arg5[%add3A, %dma_start3A_45] : memref<32x16384xi32, #tpu.memory_space<hbm>> -> memref<1x4096xi32, #tpu.memory_space<hbm>>
    %dma_start3A_47 = tpu.memref_squeeze %dma_start3A_46 : memref<1x4096xi32, #tpu.memory_space<hbm>> -> memref<4096xi32, #tpu.memory_space<hbm>>
    %dma_start3A_48 = arith.constant 4096 : i32
    %dma_start3A_49 = tpu.memref_slice %arg5[%add3A, %dma_start3A_48] : memref<32x16384xi32, #tpu.memory_space<hbm>> -> memref<1x4096xi32, #tpu.memory_space<hbm>>
    %dma_start3A_50 = tpu.memref_squeeze %dma_start3A_49 : memref<1x4096xi32, #tpu.memory_space<hbm>> -> memref<4096xi32, #tpu.memory_space<hbm>>
    tpu.enqueue_dma source(%arg10 : memref<4096xi32, #tpu.memory_space<vmem>>) target(%dma_start3A_50 : memref<4096xi32, #tpu.memory_space<hbm>>) target_semaphore(%arg20 : memref<!tpu.dma_semaphore, #tpu.memory_space<semaphore_mem>>)
    %dma_start3A_51 = arith.constant 4096 : i32
    %dma_start3A_52 = tpu.memref_slice %arg6[%add3A, %dma_start3A_51] : memref<32x16384xf32, #tpu.memory_space<hbm>> -> memref<1x4096xf32, #tpu.memory_space<hbm>>
    %dma_start3A_53 = tpu.memref_squeeze %dma_start3A_52 : memref<1x4096xf32, #tpu.memory_space<hbm>> -> memref<4096xf32, #tpu.memory_space<hbm>>
    %dma_start3A_54 = arith.constant 4096 : i32
    %dma_start3A_55 = tpu.memref_slice %arg6[%add3A, %dma_start3A_54] : memref<32x16384xf32, #tpu.memory_space<hbm>> -> memref<1x4096xf32, #tpu.memory_space<hbm>>
    %dma_start3A_56 = tpu.memref_squeeze %dma_start3A_55 : memref<1x4096xf32, #tpu.memory_space<hbm>> -> memref<4096xf32, #tpu.memory_space<hbm>>
    tpu.enqueue_dma source(%arg12 : memref<4096xf32, #tpu.memory_space<vmem>>) target(%dma_start3A_56 : memref<4096xf32, #tpu.memory_space<hbm>>) target_semaphore(%arg20 : memref<!tpu.dma_semaphore, #tpu.memory_space<semaphore_mem>>)
    %dma_wait3A_57 = arith.constant 8192 : i32
    %dma_wait3A_58 = tpu.memref_slice %arg16[%dma_wait3A_57] : memref<16384xi32, #tpu.memory_space<vmem_shared>> -> memref<4096xi32, #tpu.memory_space<vmem_shared>>
    %dma_wait3A_59 = arith.constant 8192 : i32
    %dma_wait3A_60 = tpu.memref_slice %arg16[%dma_wait3A_59] : memref<16384xi32, #tpu.memory_space<vmem_shared>> -> memref<4096xi32, #tpu.memory_space<vmem_shared>>
    tpu.wait_dma2 semaphore(%arg17 : memref<!tpu.dma_semaphore, #tpu.memory_space<semaphore_mem>>) src(%dma_wait3A_60 : memref<4096xi32, #tpu.memory_space<vmem_shared>>) dst(%arg7 : memref<4096xi32, #tpu.memory_space<vmem>>)
    %dma_start3A_61 = arith.constant 12288 : i32
    %dma_start3A_62 = tpu.memref_slice %arg16[%dma_start3A_61] : memref<16384xi32, #tpu.memory_space<vmem_shared>> -> memref<4096xi32, #tpu.memory_space<vmem_shared>>
    %dma_start3A_63 = arith.constant 12288 : i32
    %dma_start3A_64 = tpu.memref_slice %arg16[%dma_start3A_63] : memref<16384xi32, #tpu.memory_space<vmem_shared>> -> memref<4096xi32, #tpu.memory_space<vmem_shared>>
    tpu.enqueue_dma source(%dma_start3A_64 : memref<4096xi32, #tpu.memory_space<vmem_shared>>) target(%arg8 : memref<4096xi32, #tpu.memory_space<vmem>>) target_semaphore(%arg17 : memref<!tpu.dma_semaphore, #tpu.memory_space<semaphore_mem>>)
    %dma_wait3A_65 = arith.constant 0 : i32
    %dma_wait3A_66 = tpu.memref_slice %arg5[%add3A, %dma_wait3A_65] : memref<32x16384xi32, #tpu.memory_space<hbm>> -> memref<1x4096xi32, #tpu.memory_space<hbm>>
    %dma_wait3A_67 = tpu.memref_squeeze %dma_wait3A_66 : memref<1x4096xi32, #tpu.memory_space<hbm>> -> memref<4096xi32, #tpu.memory_space<hbm>>
    %dma_wait3A_68 = arith.constant 0 : i32
    %dma_wait3A_69 = tpu.memref_slice %arg5[%add3A, %dma_wait3A_68] : memref<32x16384xi32, #tpu.memory_space<hbm>> -> memref<1x4096xi32, #tpu.memory_space<hbm>>
    %dma_wait3A_70 = tpu.memref_squeeze %dma_wait3A_69 : memref<1x4096xi32, #tpu.memory_space<hbm>> -> memref<4096xi32, #tpu.memory_space<hbm>>
    tpu.wait_dma2 semaphore(%arg20 : memref<!tpu.dma_semaphore, #tpu.memory_space<semaphore_mem>>) src(%arg9 : memref<4096xi32, #tpu.memory_space<vmem>>) dst(%dma_wait3A_70 : memref<4096xi32, #tpu.memory_space<hbm>>)
    %dma_wait3A_71 = arith.constant 0 : i32
    %dma_wait3A_72 = tpu.memref_slice %arg6[%add3A, %dma_wait3A_71] : memref<32x16384xf32, #tpu.memory_space<hbm>> -> memref<1x4096xf32, #tpu.memory_space<hbm>>
    %dma_wait3A_73 = tpu.memref_squeeze %dma_wait3A_72 : memref<1x4096xf32, #tpu.memory_space<hbm>> -> memref<4096xf32, #tpu.memory_space<hbm>>
    %dma_wait3A_74 = arith.constant 0 : i32
    %dma_wait3A_75 = tpu.memref_slice %arg6[%add3A, %dma_wait3A_74] : memref<32x16384xf32, #tpu.memory_space<hbm>> -> memref<1x4096xf32, #tpu.memory_space<hbm>>
    %dma_wait3A_76 = tpu.memref_squeeze %dma_wait3A_75 : memref<1x4096xf32, #tpu.memory_space<hbm>> -> memref<4096xf32, #tpu.memory_space<hbm>>
    tpu.wait_dma2 semaphore(%arg20 : memref<!tpu.dma_semaphore, #tpu.memory_space<semaphore_mem>>) src(%arg11 : memref<4096xf32, #tpu.memory_space<vmem>>) dst(%dma_wait3A_76 : memref<4096xf32, #tpu.memory_space<hbm>>)
    %parallel_loop3A_77 = arith.constant 0 : i32
    %parallel_loop3A_78 = arith.constant 4096 : i32
    %parallel_loop3A_79 = arith.constant 16 : i32
    scf.for %parallel_loop3A_147 = %parallel_loop3A_77 to %parallel_loop3A_78 step %parallel_loop3A_79  : i32 {
      %parallel_loop3A_148 = arith.index_cast %parallel_loop3A_147 : i32 to index
      %parallel_loop3A_149 = tpu.vector_load %arg7[%parallel_loop3A_148] {strides = array<i32>} : memref<4096xi32, #tpu.memory_space<vmem>>, vector<16xi32>,
      %parallel_loop3A_150 = tpu.vector_load_idx %arg13[%parallel_loop3A_149] : memref<50000xi32, #tpu.memory_space<vmem>>[vector<16xi32>], vector<16xi32>,
      %parallel_loop3A_151 = arith.index_cast %parallel_loop3A_147 : i32 to index
      %parallel_loop3A_152 = tpu.vector_load %arg9[%parallel_loop3A_151] {strides = array<i32>} : memref<4096xi32, #tpu.memory_space<vmem>>, vector<16xi32>,
      tpu.vector_store %arg9[%parallel_loop3A_151], %parallel_loop3A_150 {strides = array<i32>} : memref<4096xi32, #tpu.memory_space<vmem>>, vector<16xi32>,
      %parallel_loop3A_153 = tpu.vector_load_idx %arg14[%parallel_loop3A_150] : memref<50000xf32, #tpu.memory_space<vmem>>[vector<16xi32>], vector<16xf32>,
      %parallel_loop3A_154 = arith.index_cast %parallel_loop3A_147 : i32 to index
      %parallel_loop3A_155 = tpu.vector_load %arg11[%parallel_loop3A_154] {strides = array<i32>} : memref<4096xf32, #tpu.memory_space<vmem>>, vector<16xf32>,
      tpu.vector_store %arg11[%parallel_loop3A_154], %parallel_loop3A_153 {strides = array<i32>} : memref<4096xf32, #tpu.memory_space<vmem>>, vector<16xf32>,
    } {sc.loop_unroll_factor = 4 : i64, sc.parallel_access}
    %dma_start3A_80 = arith.constant 8192 : i32
    %dma_start3A_81 = tpu.memref_slice %arg5[%add3A, %dma_start3A_80] : memref<32x16384xi32, #tpu.memory_space<hbm>> -> memref<1x4096xi32, #tpu.memory_space<hbm>>
    %dma_start3A_82 = tpu.memref_squeeze %dma_start3A_81 : memref<1x4096xi32, #tpu.memory_space<hbm>> -> memref<4096xi32, #tpu.memory_space<hbm>>
    %dma_start3A_83 = arith.constant 8192 : i32
    %dma_start3A_84 = tpu.memref_slice %arg5[%add3A, %dma_start3A_83] : memref<32x16384xi32, #tpu.memory_space<hbm>> -> memref<1x4096xi32, #tpu.memory_space<hbm>>
    %dma_start3A_85 = tpu.memref_squeeze %dma_start3A_84 : memref<1x4096xi32, #tpu.memory_space<hbm>> -> memref<4096xi32, #tpu.memory_space<hbm>>
    tpu.enqueue_dma source(%arg9 : memref<4096xi32, #tpu.memory_space<vmem>>) target(%dma_start3A_85 : memref<4096xi32, #tpu.memory_space<hbm>>) target_semaphore(%arg20 : memref<!tpu.dma_semaphore, #tpu.memory_space<semaphore_mem>>)
    %dma_start3A_86 = arith.constant 8192 : i32
    %dma_start3A_87 = tpu.memref_slice %arg6[%add3A, %dma_start3A_86] : memref<32x16384xf32, #tpu.memory_space<hbm>> -> memref<1x4096xf32, #tpu.memory_space<hbm>>
    %dma_start3A_88 = tpu.memref_squeeze %dma_start3A_87 : memref<1x4096xf32, #tpu.memory_space<hbm>> -> memref<4096xf32, #tpu.memory_space<hbm>>
    %dma_start3A_89 = arith.constant 8192 : i32
    %dma_start3A_90 = tpu.memref_slice %arg6[%add3A, %dma_start3A_89] : memref<32x16384xf32, #tpu.memory_space<hbm>> -> memref<1x4096xf32, #tpu.memory_space<hbm>>
    %dma_start3A_91 = tpu.memref_squeeze %dma_start3A_90 : memref<1x4096xf32, #tpu.memory_space<hbm>> -> memref<4096xf32, #tpu.memory_space<hbm>>
    tpu.enqueue_dma source(%arg11 : memref<4096xf32, #tpu.memory_space<vmem>>) target(%dma_start3A_91 : memref<4096xf32, #tpu.memory_space<hbm>>) target_semaphore(%arg20 : memref<!tpu.dma_semaphore, #tpu.memory_space<semaphore_mem>>)
    %dma_wait3A_92 = arith.constant 12288 : i32
    %dma_wait3A_93 = tpu.memref_slice %arg16[%dma_wait3A_92] : memref<16384xi32, #tpu.memory_space<vmem_shared>> -> memref<4096xi32, #tpu.memory_space<vmem_shared>>
    %dma_wait3A_94 = arith.constant 12288 : i32
    %dma_wait3A_95 = tpu.memref_slice %arg16[%dma_wait3A_94] : memref<16384xi32, #tpu.memory_space<vmem_shared>> -> memref<4096xi32, #tpu.memory_space<vmem_shared>>
    tpu.wait_dma2 semaphore(%arg17 : memref<!tpu.dma_semaphore, #tpu.memory_space<semaphore_mem>>) src(%dma_wait3A_95 : memref<4096xi32, #tpu.memory_space<vmem_shared>>) dst(%arg8 : memref<4096xi32, #tpu.memory_space<vmem>>)
    %dma_wait3A_96 = arith.constant 4096 : i32
    %dma_wait3A_97 = tpu.memref_slice %arg5[%add3A, %dma_wait3A_96] : memref<32x16384xi32, #tpu.memory_space<hbm>> -> memref<1x4096xi32, #tpu.memory_space<hbm>>
    %dma_wait3A_98 = tpu.memref_squeeze %dma_wait3A_97 : memref<1x4096xi32, #tpu.memory_space<hbm>> -> memref<4096xi32, #tpu.memory_space<hbm>>
    %dma_wait3A_99 = arith.constant 4096 : i32
    %dma_wait3A_100 = tpu.memref_slice %arg5[%add3A, %dma_wait3A_99] : memref<32x16384xi32, #tpu.memory_space<hbm>> -> memref<1x4096xi32, #tpu.memory_space<hbm>>
    %dma_wait3A_101 = tpu.memref_squeeze %dma_wait3A_100 : memref<1x4096xi32, #tpu.memory_space<hbm>> -> memref<4096xi32, #tpu.memory_space<hbm>>
    tpu.wait_dma2 semaphore(%arg20 : memref<!tpu.dma_semaphore, #tpu.memory_space<semaphore_mem>>) src(%arg10 : memref<4096xi32, #tpu.memory_space<vmem>>) dst(%dma_wait3A_101 : memref<4096xi32, #tpu.memory_space<hbm>>)
    %dma_wait3A_102 = arith.constant 4096 : i32
    %dma_wait3A_103 = tpu.memref_slice %arg6[%add3A, %dma_wait3A_102] : memref<32x16384xf32, #tpu.memory_space<hbm>> -> memref<1x4096xf32, #tpu.memory_space<hbm>>
    %dma_wait3A_104 = tpu.memref_squeeze %dma_wait3A_103 : memref<1x4096xf32, #tpu.memory_space<hbm>> -> memref<4096xf32, #tpu.memory_space<hbm>>
    %dma_wait3A_105 = arith.constant 4096 : i32
    %dma_wait3A_106 = tpu.memref_slice %arg6[%add3A, %dma_wait3A_105] : memref<32x16384xf32, #tpu.memory_space<hbm>> -> memref<1x4096xf32, #tpu.memory_space<hbm>>
    %dma_wait3A_107 = tpu.memref_squeeze %dma_wait3A_106 : memref<1x4096xf32, #tpu.memory_space<hbm>> -> memref<4096xf32, #tpu.memory_space<hbm>>
    tpu.wait_dma2 semaphore(%arg20 : memref<!tpu.dma_semaphore, #tpu.memory_space<semaphore_mem>>) src(%arg12 : memref<4096xf32, #tpu.memory_space<vmem>>) dst(%dma_wait3A_107 : memref<4096xf32, #tpu.memory_space<hbm>>)
    %parallel_loop3A_108 = arith.constant 0 : i32
    %parallel_loop3A_109 = arith.constant 4096 : i32
    %parallel_loop3A_110 = arith.constant 16 : i32
    scf.for %parallel_loop3A_147 = %parallel_loop3A_108 to %parallel_loop3A_109 step %parallel_loop3A_110  : i32 {
      %parallel_loop3A_148 = arith.index_cast %parallel_loop3A_147 : i32 to index
      %parallel_loop3A_149 = tpu.vector_load %arg8[%parallel_loop3A_148] {strides = array<i32>} : memref<4096xi32, #tpu.memory_space<vmem>>, vector<16xi32>,
      %parallel_loop3A_150 = tpu.vector_load_idx %arg13[%parallel_loop3A_149] : memref<50000xi32, #tpu.memory_space<vmem>>[vector<16xi32>], vector<16xi32>,
      %parallel_loop3A_151 = arith.index_cast %parallel_loop3A_147 : i32 to index
      %parallel_loop3A_152 = tpu.vector_load %arg10[%parallel_loop3A_151] {strides = array<i32>} : memref<4096xi32, #tpu.memory_space<vmem>>, vector<16xi32>,
      tpu.vector_store %arg10[%parallel_loop3A_151], %parallel_loop3A_150 {strides = array<i32>} : memref<4096xi32, #tpu.memory_space<vmem>>, vector<16xi32>,
      %parallel_loop3A_153 = tpu.vector_load_idx %arg14[%parallel_loop3A_150] : memref<50000xf32, #tpu.memory_space<vmem>>[vector<16xi32>], vector<16xf32>,
      %parallel_loop3A_154 = arith.index_cast %parallel_loop3A_147 : i32 to index
      %parallel_loop3A_155 = tpu.vector_load %arg12[%parallel_loop3A_154] {strides = array<i32>} : memref<4096xf32, #tpu.memory_space<vmem>>, vector<16xf32>,
      tpu.vector_store %arg12[%parallel_loop3A_154], %parallel_loop3A_153 {strides = array<i32>} : memref<4096xf32, #tpu.memory_space<vmem>>, vector<16xf32>,
    } {sc.loop_unroll_factor = 4 : i64, sc.parallel_access}
    %dma_start3A_111 = arith.constant 12288 : i32
    %dma_start3A_112 = tpu.memref_slice %arg5[%add3A, %dma_start3A_111] : memref<32x16384xi32, #tpu.memory_space<hbm>> -> memref<1x4096xi32, #tpu.memory_space<hbm>>
    %dma_start3A_113 = tpu.memref_squeeze %dma_start3A_112 : memref<1x4096xi32, #tpu.memory_space<hbm>> -> memref<4096xi32, #tpu.memory_space<hbm>>
    %dma_start3A_114 = arith.constant 12288 : i32
    %dma_start3A_115 = tpu.memref_slice %arg5[%add3A, %dma_start3A_114] : memref<32x16384xi32, #tpu.memory_space<hbm>> -> memref<1x4096xi32, #tpu.memory_space<hbm>>
    %dma_start3A_116 = tpu.memref_squeeze %dma_start3A_115 : memref<1x4096xi32, #tpu.memory_space<hbm>> -> memref<4096xi32, #tpu.memory_space<hbm>>
    tpu.enqueue_dma source(%arg10 : memref<4096xi32, #tpu.memory_space<vmem>>) target(%dma_start3A_116 : memref<4096xi32, #tpu.memory_space<hbm>>) target_semaphore(%arg20 : memref<!tpu.dma_semaphore, #tpu.memory_space<semaphore_mem>>)
    %dma_start3A_117 = arith.constant 12288 : i32
    %dma_start3A_118 = tpu.memref_slice %arg6[%add3A, %dma_start3A_117] : memref<32x16384xf32, #tpu.memory_space<hbm>> -> memref<1x4096xf32, #tpu.memory_space<hbm>>
    %dma_start3A_119 = tpu.memref_squeeze %dma_start3A_118 : memref<1x4096xf32, #tpu.memory_space<hbm>> -> memref<4096xf32, #tpu.memory_space<hbm>>
    %dma_start3A_120 = arith.constant 12288 : i32
    %dma_start3A_121 = tpu.memref_slice %arg6[%add3A, %dma_start3A_120] : memref<32x16384xf32, #tpu.memory_space<hbm>> -> memref<1x4096xf32, #tpu.memory_space<hbm>>
    %dma_start3A_122 = tpu.memref_squeeze %dma_start3A_121 : memref<1x4096xf32, #tpu.memory_space<hbm>> -> memref<4096xf32, #tpu.memory_space<hbm>>
    tpu.enqueue_dma source(%arg12 : memref<4096xf32, #tpu.memory_space<vmem>>) target(%dma_start3A_122 : memref<4096xf32, #tpu.memory_space<hbm>>) target_semaphore(%arg20 : memref<!tpu.dma_semaphore, #tpu.memory_space<semaphore_mem>>)
    %dma_wait3A_123 = arith.constant 8192 : i32
    %dma_wait3A_124 = tpu.memref_slice %arg5[%add3A, %dma_wait3A_123] : memref<32x16384xi32, #tpu.memory_space<hbm>> -> memref<1x4096xi32, #tpu.memory_space<hbm>>
    %dma_wait3A_125 = tpu.memref_squeeze %dma_wait3A_124 : memref<1x4096xi32, #tpu.memory_space<hbm>> -> memref<4096xi32, #tpu.memory_space<hbm>>
    %dma_wait3A_126 = arith.constant 8192 : i32
    %dma_wait3A_127 = tpu.memref_slice %arg5[%add3A, %dma_wait3A_126] : memref<32x16384xi32, #tpu.memory_space<hbm>> -> memref<1x4096xi32, #tpu.memory_space<hbm>>
    %dma_wait3A_128 = tpu.memref_squeeze %dma_wait3A_127 : memref<1x4096xi32, #tpu.memory_space<hbm>> -> memref<4096xi32, #tpu.memory_space<hbm>>
    tpu.wait_dma2 semaphore(%arg20 : memref<!tpu.dma_semaphore, #tpu.memory_space<semaphore_mem>>) src(%arg9 : memref<4096xi32, #tpu.memory_space<vmem>>) dst(%dma_wait3A_128 : memref<4096xi32, #tpu.memory_space<hbm>>)
    %dma_wait3A_129 = arith.constant 8192 : i32
    %dma_wait3A_130 = tpu.memref_slice %arg6[%add3A, %dma_wait3A_129] : memref<32x16384xf32, #tpu.memory_space<hbm>> -> memref<1x4096xf32, #tpu.memory_space<hbm>>
    %dma_wait3A_131 = tpu.memref_squeeze %dma_wait3A_130 : memref<1x4096xf32, #tpu.memory_space<hbm>> -> memref<4096xf32, #tpu.memory_space<hbm>>
    %dma_wait3A_132 = arith.constant 8192 : i32
    %dma_wait3A_133 = tpu.memref_slice %arg6[%add3A, %dma_wait3A_132] : memref<32x16384xf32, #tpu.memory_space<hbm>> -> memref<1x4096xf32, #tpu.memory_space<hbm>>
    %dma_wait3A_134 = tpu.memref_squeeze %dma_wait3A_133 : memref<1x4096xf32, #tpu.memory_space<hbm>> -> memref<4096xf32, #tpu.memory_space<hbm>>
    tpu.wait_dma2 semaphore(%arg20 : memref<!tpu.dma_semaphore, #tpu.memory_space<semaphore_mem>>) src(%arg11 : memref<4096xf32, #tpu.memory_space<vmem>>) dst(%dma_wait3A_134 : memref<4096xf32, #tpu.memory_space<hbm>>)
    %dma_wait3A_135 = arith.constant 12288 : i32
    %dma_wait3A_136 = tpu.memref_slice %arg5[%add3A, %dma_wait3A_135] : memref<32x16384xi32, #tpu.memory_space<hbm>> -> memref<1x4096xi32, #tpu.memory_space<hbm>>
    %dma_wait3A_137 = tpu.memref_squeeze %dma_wait3A_136 : memref<1x4096xi32, #tpu.memory_space<hbm>> -> memref<4096xi32, #tpu.memory_space<hbm>>
    %dma_wait3A_138 = arith.constant 12288 : i32
    %dma_wait3A_139 = tpu.memref_slice %arg5[%add3A, %dma_wait3A_138] : memref<32x16384xi32, #tpu.memory_space<hbm>> -> memref<1x4096xi32, #tpu.memory_space<hbm>>
    %dma_wait3A_140 = tpu.memref_squeeze %dma_wait3A_139 : memref<1x4096xi32, #tpu.memory_space<hbm>> -> memref<4096xi32, #tpu.memory_space<hbm>>
    tpu.wait_dma2 semaphore(%arg20 : memref<!tpu.dma_semaphore, #tpu.memory_space<semaphore_mem>>) src(%arg10 : memref<4096xi32, #tpu.memory_space<vmem>>) dst(%dma_wait3A_140 : memref<4096xi32, #tpu.memory_space<hbm>>)
    %dma_wait3A_141 = arith.constant 12288 : i32
    %dma_wait3A_142 = tpu.memref_slice %arg6[%add3A, %dma_wait3A_141] : memref<32x16384xf32, #tpu.memory_space<hbm>> -> memref<1x4096xf32, #tpu.memory_space<hbm>>
    %dma_wait3A_143 = tpu.memref_squeeze %dma_wait3A_142 : memref<1x4096xf32, #tpu.memory_space<hbm>> -> memref<4096xf32, #tpu.memory_space<hbm>>
    %dma_wait3A_144 = arith.constant 12288 : i32
    %dma_wait3A_145 = tpu.memref_slice %arg6[%add3A, %dma_wait3A_144] : memref<32x16384xf32, #tpu.memory_space<hbm>> -> memref<1x4096xf32, #tpu.memory_space<hbm>>
    %dma_wait3A_146 = tpu.memref_squeeze %dma_wait3A_145 : memref<1x4096xf32, #tpu.memory_space<hbm>> -> memref<4096xf32, #tpu.memory_space<hbm>>
    tpu.wait_dma2 semaphore(%arg20 : memref<!tpu.dma_semaphore, #tpu.memory_space<semaphore_mem>>) src(%arg12 : memref<4096xf32, #tpu.memory_space<vmem>>) dst(%dma_wait3A_146 : memref<4096xf32, #tpu.memory_space<hbm>>)
    return
  }
}

module attributes {stable_mosaic.version = 14 : i64} {
  func.func @body(%arg0: i32, %arg1: memref<32x4096xi32, #tpu.memory_space<vmem>>, %arg2: memref<32x4096xf32, #tpu.memory_space<vmem>>, %arg3: memref<16x4096xi32, #tpu.memory_space<vmem>>) attributes {dimension_semantics = [#tpu.dimension_semantics<arbitrary>], iteration_bounds = array<i64: 4>, scalar_prefetch = 0 : i64, scratch_operands = 0 : i64, tpu.core_type = #tpu.core_type<tc>, window_params = [{transform_indices = @transform_0, window_bounds = array<i64: 32, 4096>}, {transform_indices = @transform_1, window_bounds = array<i64: 32, 4096>}, {transform_indices = @transform_2, window_bounds = array<i64: 16, 4096>}]} {
    %get3A = arith.constant 0 : index
    %get3A_0 = arith.constant 0 : index
    %get3A_1 = vector.load %arg1[%get3A, %get3A_0] : memref<32x4096xi32, #tpu.memory_space<vmem>>, vector<32x4096xi32>
    %get3A_2 = arith.constant 0 : index
    %get3A_3 = arith.constant 0 : index
    %get3A_4 = vector.load %arg2[%get3A_2, %get3A_3] : memref<32x4096xf32, #tpu.memory_space<vmem>>, vector<32x4096xf32>
    %bitcast_convert_type3A = tpu.bitcast %get3A_4 : vector<32x4096xf32> -> vector<32x4096xi32>
    %mul3A = arith.constant 2 : i32
    %mul3A_5 = vector.broadcast %mul3A : i32 to vector<32x4096xi32>
    %mul3A_6 = arith.muli %bitcast_convert_type3A, %mul3A_5 : vector<32x4096xi32>
    %iota3A = tpu.iota {dimensions = array<i32: 0>} : vector<32x1xi32>
    %broadcast_in_dim3A = arith.constant 0 : i32
    %broadcast_in_dim3A_7 = vector.broadcast %broadcast_in_dim3A : i32 to vector<32x4096xi32>
    %gt3A = arith.constant 0 : i32
    %gt3A_8 = vector.broadcast %gt3A : i32 to vector<32x1xi32>
    %gt3A_9 = arith.cmpi sgt, %iota3A, %gt3A_8 : vector<32x1xi32>
    %convert_element_type3A = arith.extui %gt3A_9 : vector<32x1xi1> to vector<32x1xi32>
    %slice3A = vector.extract_strided_slice %mul3A_6 {offsets = [0, 0], sizes = [1, 4096], strides = [1, 1]} : vector<32x4096xi32> to vector<1x4096xi32>
    %add3A = vector.broadcast %slice3A : vector<1x4096xi32> to vector<32x4096xi32>
    %add3A_10 = vector.broadcast %convert_element_type3A : vector<32x1xi32> to vector<32x4096xi32>
    %add3A_11 = arith.addi %add3A, %add3A_10 : vector<32x4096xi32>
    %gt3A_12 = arith.cmpi sgt, %add3A_11, %mul3A_6 : vector<32x4096xi32>
    %convert_element_type3A_13 = arith.extui %gt3A_12 : vector<32x4096xi1> to vector<32x4096xi32>
    %add3A_14 = arith.addi %broadcast_in_dim3A_7, %convert_element_type3A_13 : vector<32x4096xi32>
    %gt3A_15 = arith.constant 1 : i32
    %gt3A_16 = vector.broadcast %gt3A_15 : i32 to vector<32x1xi32>
    %gt3A_17 = arith.cmpi sgt, %iota3A, %gt3A_16 : vector<32x1xi32>
    %convert_element_type3A_18 = arith.extui %gt3A_17 : vector<32x1xi1> to vector<32x1xi32>
    %slice3A_19 = vector.extract_strided_slice %mul3A_6 {offsets = [1, 0], sizes = [1, 4096], strides = [1, 1]} : vector<32x4096xi32> to vector<1x4096xi32>
    %add3A_20 = vector.broadcast %slice3A_19 : vector<1x4096xi32> to vector<32x4096xi32>
    %add3A_21 = vector.broadcast %convert_element_type3A_18 : vector<32x1xi32> to vector<32x4096xi32>
    %add3A_22 = arith.addi %add3A_20, %add3A_21 : vector<32x4096xi32>
    %gt3A_23 = arith.cmpi sgt, %add3A_22, %mul3A_6 : vector<32x4096xi32>
    %convert_element_type3A_24 = arith.extui %gt3A_23 : vector<32x4096xi1> to vector<32x4096xi32>
    %add3A_25 = arith.addi %add3A_14, %convert_element_type3A_24 : vector<32x4096xi32>
    %gt3A_26 = arith.constant 2 : i32
    %gt3A_27 = vector.broadcast %gt3A_26 : i32 to vector<32x1xi32>
    %gt3A_28 = arith.cmpi sgt, %iota3A, %gt3A_27 : vector<32x1xi32>
    %convert_element_type3A_29 = arith.extui %gt3A_28 : vector<32x1xi1> to vector<32x1xi32>
    %slice3A_30 = vector.extract_strided_slice %mul3A_6 {offsets = [2, 0], sizes = [1, 4096], strides = [1, 1]} : vector<32x4096xi32> to vector<1x4096xi32>
    %add3A_31 = vector.broadcast %slice3A_30 : vector<1x4096xi32> to vector<32x4096xi32>
    %add3A_32 = vector.broadcast %convert_element_type3A_29 : vector<32x1xi32> to vector<32x4096xi32>
    %add3A_33 = arith.addi %add3A_31, %add3A_32 : vector<32x4096xi32>
    %gt3A_34 = arith.cmpi sgt, %add3A_33, %mul3A_6 : vector<32x4096xi32>
    %convert_element_type3A_35 = arith.extui %gt3A_34 : vector<32x4096xi1> to vector<32x4096xi32>
    %add3A_36 = arith.addi %add3A_25, %convert_element_type3A_35 : vector<32x4096xi32>
    %gt3A_37 = arith.constant 3 : i32
    %gt3A_38 = vector.broadcast %gt3A_37 : i32 to vector<32x1xi32>
    %gt3A_39 = arith.cmpi sgt, %iota3A, %gt3A_38 : vector<32x1xi32>
    %convert_element_type3A_40 = arith.extui %gt3A_39 : vector<32x1xi1> to vector<32x1xi32>
    %slice3A_41 = vector.extract_strided_slice %mul3A_6 {offsets = [3, 0], sizes = [1, 4096], strides = [1, 1]} : vector<32x4096xi32> to vector<1x4096xi32>
    %add3A_42 = vector.broadcast %slice3A_41 : vector<1x4096xi32> to vector<32x4096xi32>
    %add3A_43 = vector.broadcast %convert_element_type3A_40 : vector<32x1xi32> to vector<32x4096xi32>
    %add3A_44 = arith.addi %add3A_42, %add3A_43 : vector<32x4096xi32>
    %gt3A_45 = arith.cmpi sgt, %add3A_44, %mul3A_6 : vector<32x4096xi32>
    %convert_element_type3A_46 = arith.extui %gt3A_45 : vector<32x4096xi1> to vector<32x4096xi32>
    %add3A_47 = arith.addi %add3A_36, %convert_element_type3A_46 : vector<32x4096xi32>
    %gt3A_48 = arith.constant 4 : i32
    %gt3A_49 = vector.broadcast %gt3A_48 : i32 to vector<32x1xi32>
    %gt3A_50 = arith.cmpi sgt, %iota3A, %gt3A_49 : vector<32x1xi32>
    %convert_element_type3A_51 = arith.extui %gt3A_50 : vector<32x1xi1> to vector<32x1xi32>
    %slice3A_52 = vector.extract_strided_slice %mul3A_6 {offsets = [4, 0], sizes = [1, 4096], strides = [1, 1]} : vector<32x4096xi32> to vector<1x4096xi32>
    %add3A_53 = vector.broadcast %slice3A_52 : vector<1x4096xi32> to vector<32x4096xi32>
    %add3A_54 = vector.broadcast %convert_element_type3A_51 : vector<32x1xi32> to vector<32x4096xi32>
    %add3A_55 = arith.addi %add3A_53, %add3A_54 : vector<32x4096xi32>
    %gt3A_56 = arith.cmpi sgt, %add3A_55, %mul3A_6 : vector<32x4096xi32>
    %convert_element_type3A_57 = arith.extui %gt3A_56 : vector<32x4096xi1> to vector<32x4096xi32>
    %add3A_58 = arith.addi %add3A_47, %convert_element_type3A_57 : vector<32x4096xi32>
    %gt3A_59 = arith.constant 5 : i32
    %gt3A_60 = vector.broadcast %gt3A_59 : i32 to vector<32x1xi32>
    %gt3A_61 = arith.cmpi sgt, %iota3A, %gt3A_60 : vector<32x1xi32>
    %convert_element_type3A_62 = arith.extui %gt3A_61 : vector<32x1xi1> to vector<32x1xi32>
    %slice3A_63 = vector.extract_strided_slice %mul3A_6 {offsets = [5, 0], sizes = [1, 4096], strides = [1, 1]} : vector<32x4096xi32> to vector<1x4096xi32>
    %add3A_64 = vector.broadcast %slice3A_63 : vector<1x4096xi32> to vector<32x4096xi32>
    %add3A_65 = vector.broadcast %convert_element_type3A_62 : vector<32x1xi32> to vector<32x4096xi32>
    %add3A_66 = arith.addi %add3A_64, %add3A_65 : vector<32x4096xi32>
    %gt3A_67 = arith.cmpi sgt, %add3A_66, %mul3A_6 : vector<32x4096xi32>
    %convert_element_type3A_68 = arith.extui %gt3A_67 : vector<32x4096xi1> to vector<32x4096xi32>
    %add3A_69 = arith.addi %add3A_58, %convert_element_type3A_68 : vector<32x4096xi32>
    %gt3A_70 = arith.constant 6 : i32
    %gt3A_71 = vector.broadcast %gt3A_70 : i32 to vector<32x1xi32>
    %gt3A_72 = arith.cmpi sgt, %iota3A, %gt3A_71 : vector<32x1xi32>
    %convert_element_type3A_73 = arith.extui %gt3A_72 : vector<32x1xi1> to vector<32x1xi32>
    %slice3A_74 = vector.extract_strided_slice %mul3A_6 {offsets = [6, 0], sizes = [1, 4096], strides = [1, 1]} : vector<32x4096xi32> to vector<1x4096xi32>
    %add3A_75 = vector.broadcast %slice3A_74 : vector<1x4096xi32> to vector<32x4096xi32>
    %add3A_76 = vector.broadcast %convert_element_type3A_73 : vector<32x1xi32> to vector<32x4096xi32>
    %add3A_77 = arith.addi %add3A_75, %add3A_76 : vector<32x4096xi32>
    %gt3A_78 = arith.cmpi sgt, %add3A_77, %mul3A_6 : vector<32x4096xi32>
    %convert_element_type3A_79 = arith.extui %gt3A_78 : vector<32x4096xi1> to vector<32x4096xi32>
    %add3A_80 = arith.addi %add3A_69, %convert_element_type3A_79 : vector<32x4096xi32>
    %gt3A_81 = arith.constant 7 : i32
    %gt3A_82 = vector.broadcast %gt3A_81 : i32 to vector<32x1xi32>
    %gt3A_83 = arith.cmpi sgt, %iota3A, %gt3A_82 : vector<32x1xi32>
    %convert_element_type3A_84 = arith.extui %gt3A_83 : vector<32x1xi1> to vector<32x1xi32>
    %slice3A_85 = vector.extract_strided_slice %mul3A_6 {offsets = [7, 0], sizes = [1, 4096], strides = [1, 1]} : vector<32x4096xi32> to vector<1x4096xi32>
    %add3A_86 = vector.broadcast %slice3A_85 : vector<1x4096xi32> to vector<32x4096xi32>
    %add3A_87 = vector.broadcast %convert_element_type3A_84 : vector<32x1xi32> to vector<32x4096xi32>
    %add3A_88 = arith.addi %add3A_86, %add3A_87 : vector<32x4096xi32>
    %gt3A_89 = arith.cmpi sgt, %add3A_88, %mul3A_6 : vector<32x4096xi32>
    %convert_element_type3A_90 = arith.extui %gt3A_89 : vector<32x4096xi1> to vector<32x4096xi32>
    %add3A_91 = arith.addi %add3A_80, %convert_element_type3A_90 : vector<32x4096xi32>
    %gt3A_92 = arith.constant 8 : i32
    %gt3A_93 = vector.broadcast %gt3A_92 : i32 to vector<32x1xi32>
    %gt3A_94 = arith.cmpi sgt, %iota3A, %gt3A_93 : vector<32x1xi32>
    %convert_element_type3A_95 = arith.extui %gt3A_94 : vector<32x1xi1> to vector<32x1xi32>
    %slice3A_96 = vector.extract_strided_slice %mul3A_6 {offsets = [8, 0], sizes = [1, 4096], strides = [1, 1]} : vector<32x4096xi32> to vector<1x4096xi32>
    %add3A_97 = vector.broadcast %slice3A_96 : vector<1x4096xi32> to vector<32x4096xi32>
    %add3A_98 = vector.broadcast %convert_element_type3A_95 : vector<32x1xi32> to vector<32x4096xi32>
    %add3A_99 = arith.addi %add3A_97, %add3A_98 : vector<32x4096xi32>
    %gt3A_100 = arith.cmpi sgt, %add3A_99, %mul3A_6 : vector<32x4096xi32>
    %convert_element_type3A_101 = arith.extui %gt3A_100 : vector<32x4096xi1> to vector<32x4096xi32>
    %add3A_102 = arith.addi %add3A_91, %convert_element_type3A_101 : vector<32x4096xi32>
    %gt3A_103 = arith.constant 9 : i32
    %gt3A_104 = vector.broadcast %gt3A_103 : i32 to vector<32x1xi32>
    %gt3A_105 = arith.cmpi sgt, %iota3A, %gt3A_104 : vector<32x1xi32>
    %convert_element_type3A_106 = arith.extui %gt3A_105 : vector<32x1xi1> to vector<32x1xi32>
    %slice3A_107 = vector.extract_strided_slice %mul3A_6 {offsets = [9, 0], sizes = [1, 4096], strides = [1, 1]} : vector<32x4096xi32> to vector<1x4096xi32>
    %add3A_108 = vector.broadcast %slice3A_107 : vector<1x4096xi32> to vector<32x4096xi32>
    %add3A_109 = vector.broadcast %convert_element_type3A_106 : vector<32x1xi32> to vector<32x4096xi32>
    %add3A_110 = arith.addi %add3A_108, %add3A_109 : vector<32x4096xi32>
    %gt3A_111 = arith.cmpi sgt, %add3A_110, %mul3A_6 : vector<32x4096xi32>
    %convert_element_type3A_112 = arith.extui %gt3A_111 : vector<32x4096xi1> to vector<32x4096xi32>
    %add3A_113 = arith.addi %add3A_102, %convert_element_type3A_112 : vector<32x4096xi32>
    %gt3A_114 = arith.constant 10 : i32
    %gt3A_115 = vector.broadcast %gt3A_114 : i32 to vector<32x1xi32>
    %gt3A_116 = arith.cmpi sgt, %iota3A, %gt3A_115 : vector<32x1xi32>
    %convert_element_type3A_117 = arith.extui %gt3A_116 : vector<32x1xi1> to vector<32x1xi32>
    %slice3A_118 = vector.extract_strided_slice %mul3A_6 {offsets = [10, 0], sizes = [1, 4096], strides = [1, 1]} : vector<32x4096xi32> to vector<1x4096xi32>
    %add3A_119 = vector.broadcast %slice3A_118 : vector<1x4096xi32> to vector<32x4096xi32>
    %add3A_120 = vector.broadcast %convert_element_type3A_117 : vector<32x1xi32> to vector<32x4096xi32>
    %add3A_121 = arith.addi %add3A_119, %add3A_120 : vector<32x4096xi32>
    %gt3A_122 = arith.cmpi sgt, %add3A_121, %mul3A_6 : vector<32x4096xi32>
    %convert_element_type3A_123 = arith.extui %gt3A_122 : vector<32x4096xi1> to vector<32x4096xi32>
    %add3A_124 = arith.addi %add3A_113, %convert_element_type3A_123 : vector<32x4096xi32>
    %gt3A_125 = arith.constant 11 : i32
    %gt3A_126 = vector.broadcast %gt3A_125 : i32 to vector<32x1xi32>
    %gt3A_127 = arith.cmpi sgt, %iota3A, %gt3A_126 : vector<32x1xi32>
    %convert_element_type3A_128 = arith.extui %gt3A_127 : vector<32x1xi1> to vector<32x1xi32>
    %slice3A_129 = vector.extract_strided_slice %mul3A_6 {offsets = [11, 0], sizes = [1, 4096], strides = [1, 1]} : vector<32x4096xi32> to vector<1x4096xi32>
    %add3A_130 = vector.broadcast %slice3A_129 : vector<1x4096xi32> to vector<32x4096xi32>
    %add3A_131 = vector.broadcast %convert_element_type3A_128 : vector<32x1xi32> to vector<32x4096xi32>
    %add3A_132 = arith.addi %add3A_130, %add3A_131 : vector<32x4096xi32>
    %gt3A_133 = arith.cmpi sgt, %add3A_132, %mul3A_6 : vector<32x4096xi32>
    %convert_element_type3A_134 = arith.extui %gt3A_133 : vector<32x4096xi1> to vector<32x4096xi32>
    %add3A_135 = arith.addi %add3A_124, %convert_element_type3A_134 : vector<32x4096xi32>
    %gt3A_136 = arith.constant 12 : i32
    %gt3A_137 = vector.broadcast %gt3A_136 : i32 to vector<32x1xi32>
    %gt3A_138 = arith.cmpi sgt, %iota3A, %gt3A_137 : vector<32x1xi32>
    %convert_element_type3A_139 = arith.extui %gt3A_138 : vector<32x1xi1> to vector<32x1xi32>
    %slice3A_140 = vector.extract_strided_slice %mul3A_6 {offsets = [12, 0], sizes = [1, 4096], strides = [1, 1]} : vector<32x4096xi32> to vector<1x4096xi32>
    %add3A_141 = vector.broadcast %slice3A_140 : vector<1x4096xi32> to vector<32x4096xi32>
    %add3A_142 = vector.broadcast %convert_element_type3A_139 : vector<32x1xi32> to vector<32x4096xi32>
    %add3A_143 = arith.addi %add3A_141, %add3A_142 : vector<32x4096xi32>
    %gt3A_144 = arith.cmpi sgt, %add3A_143, %mul3A_6 : vector<32x4096xi32>
    %convert_element_type3A_145 = arith.extui %gt3A_144 : vector<32x4096xi1> to vector<32x4096xi32>
    %add3A_146 = arith.addi %add3A_135, %convert_element_type3A_145 : vector<32x4096xi32>
    %gt3A_147 = arith.constant 13 : i32
    %gt3A_148 = vector.broadcast %gt3A_147 : i32 to vector<32x1xi32>
    %gt3A_149 = arith.cmpi sgt, %iota3A, %gt3A_148 : vector<32x1xi32>
    %convert_element_type3A_150 = arith.extui %gt3A_149 : vector<32x1xi1> to vector<32x1xi32>
    %slice3A_151 = vector.extract_strided_slice %mul3A_6 {offsets = [13, 0], sizes = [1, 4096], strides = [1, 1]} : vector<32x4096xi32> to vector<1x4096xi32>
    %add3A_152 = vector.broadcast %slice3A_151 : vector<1x4096xi32> to vector<32x4096xi32>
    %add3A_153 = vector.broadcast %convert_element_type3A_150 : vector<32x1xi32> to vector<32x4096xi32>
    %add3A_154 = arith.addi %add3A_152, %add3A_153 : vector<32x4096xi32>
    %gt3A_155 = arith.cmpi sgt, %add3A_154, %mul3A_6 : vector<32x4096xi32>
    %convert_element_type3A_156 = arith.extui %gt3A_155 : vector<32x4096xi1> to vector<32x4096xi32>
    %add3A_157 = arith.addi %add3A_146, %convert_element_type3A_156 : vector<32x4096xi32>
    %gt3A_158 = arith.constant 14 : i32
    %gt3A_159 = vector.broadcast %gt3A_158 : i32 to vector<32x1xi32>
    %gt3A_160 = arith.cmpi sgt, %iota3A, %gt3A_159 : vector<32x1xi32>
    %convert_element_type3A_161 = arith.extui %gt3A_160 : vector<32x1xi1> to vector<32x1xi32>
    %slice3A_162 = vector.extract_strided_slice %mul3A_6 {offsets = [14, 0], sizes = [1, 4096], strides = [1, 1]} : vector<32x4096xi32> to vector<1x4096xi32>
    %add3A_163 = vector.broadcast %slice3A_162 : vector<1x4096xi32> to vector<32x4096xi32>
    %add3A_164 = vector.broadcast %convert_element_type3A_161 : vector<32x1xi32> to vector<32x4096xi32>
    %add3A_165 = arith.addi %add3A_163, %add3A_164 : vector<32x4096xi32>
    %gt3A_166 = arith.cmpi sgt, %add3A_165, %mul3A_6 : vector<32x4096xi32>
    %convert_element_type3A_167 = arith.extui %gt3A_166 : vector<32x4096xi1> to vector<32x4096xi32>
    %add3A_168 = arith.addi %add3A_157, %convert_element_type3A_167 : vector<32x4096xi32>
    %gt3A_169 = arith.constant 15 : i32
    %gt3A_170 = vector.broadcast %gt3A_169 : i32 to vector<32x1xi32>
    %gt3A_171 = arith.cmpi sgt, %iota3A, %gt3A_170 : vector<32x1xi32>
    %convert_element_type3A_172 = arith.extui %gt3A_171 : vector<32x1xi1> to vector<32x1xi32>
    %slice3A_173 = vector.extract_strided_slice %mul3A_6 {offsets = [15, 0], sizes = [1, 4096], strides = [1, 1]} : vector<32x4096xi32> to vector<1x4096xi32>
    %add3A_174 = vector.broadcast %slice3A_173 : vector<1x4096xi32> to vector<32x4096xi32>
    %add3A_175 = vector.broadcast %convert_element_type3A_172 : vector<32x1xi32> to vector<32x4096xi32>
    %add3A_176 = arith.addi %add3A_174, %add3A_175 : vector<32x4096xi32>
    %gt3A_177 = arith.cmpi sgt, %add3A_176, %mul3A_6 : vector<32x4096xi32>
    %convert_element_type3A_178 = arith.extui %gt3A_177 : vector<32x4096xi1> to vector<32x4096xi32>
    %add3A_179 = arith.addi %add3A_168, %convert_element_type3A_178 : vector<32x4096xi32>
    %gt3A_180 = arith.constant 16 : i32
    %gt3A_181 = vector.broadcast %gt3A_180 : i32 to vector<32x1xi32>
    %gt3A_182 = arith.cmpi sgt, %iota3A, %gt3A_181 : vector<32x1xi32>
    %convert_element_type3A_183 = arith.extui %gt3A_182 : vector<32x1xi1> to vector<32x1xi32>
    %slice3A_184 = vector.extract_strided_slice %mul3A_6 {offsets = [16, 0], sizes = [1, 4096], strides = [1, 1]} : vector<32x4096xi32> to vector<1x4096xi32>
    %add3A_185 = vector.broadcast %slice3A_184 : vector<1x4096xi32> to vector<32x4096xi32>
    %add3A_186 = vector.broadcast %convert_element_type3A_183 : vector<32x1xi32> to vector<32x4096xi32>
    %add3A_187 = arith.addi %add3A_185, %add3A_186 : vector<32x4096xi32>
    %gt3A_188 = arith.cmpi sgt, %add3A_187, %mul3A_6 : vector<32x4096xi32>
    %convert_element_type3A_189 = arith.extui %gt3A_188 : vector<32x4096xi1> to vector<32x4096xi32>
    %add3A_190 = arith.addi %add3A_179, %convert_element_type3A_189 : vector<32x4096xi32>
    %gt3A_191 = arith.constant 17 : i32
    %gt3A_192 = vector.broadcast %gt3A_191 : i32 to vector<32x1xi32>
    %gt3A_193 = arith.cmpi sgt, %iota3A, %gt3A_192 : vector<32x1xi32>
    %convert_element_type3A_194 = arith.extui %gt3A_193 : vector<32x1xi1> to vector<32x1xi32>
    %slice3A_195 = vector.extract_strided_slice %mul3A_6 {offsets = [17, 0], sizes = [1, 4096], strides = [1, 1]} : vector<32x4096xi32> to vector<1x4096xi32>
    %add3A_196 = vector.broadcast %slice3A_195 : vector<1x4096xi32> to vector<32x4096xi32>
    %add3A_197 = vector.broadcast %convert_element_type3A_194 : vector<32x1xi32> to vector<32x4096xi32>
    %add3A_198 = arith.addi %add3A_196, %add3A_197 : vector<32x4096xi32>
    %gt3A_199 = arith.cmpi sgt, %add3A_198, %mul3A_6 : vector<32x4096xi32>
    %convert_element_type3A_200 = arith.extui %gt3A_199 : vector<32x4096xi1> to vector<32x4096xi32>
    %add3A_201 = arith.addi %add3A_190, %convert_element_type3A_200 : vector<32x4096xi32>
    %gt3A_202 = arith.constant 18 : i32
    %gt3A_203 = vector.broadcast %gt3A_202 : i32 to vector<32x1xi32>
    %gt3A_204 = arith.cmpi sgt, %iota3A, %gt3A_203 : vector<32x1xi32>
    %convert_element_type3A_205 = arith.extui %gt3A_204 : vector<32x1xi1> to vector<32x1xi32>
    %slice3A_206 = vector.extract_strided_slice %mul3A_6 {offsets = [18, 0], sizes = [1, 4096], strides = [1, 1]} : vector<32x4096xi32> to vector<1x4096xi32>
    %add3A_207 = vector.broadcast %slice3A_206 : vector<1x4096xi32> to vector<32x4096xi32>
    %add3A_208 = vector.broadcast %convert_element_type3A_205 : vector<32x1xi32> to vector<32x4096xi32>
    %add3A_209 = arith.addi %add3A_207, %add3A_208 : vector<32x4096xi32>
    %gt3A_210 = arith.cmpi sgt, %add3A_209, %mul3A_6 : vector<32x4096xi32>
    %convert_element_type3A_211 = arith.extui %gt3A_210 : vector<32x4096xi1> to vector<32x4096xi32>
    %add3A_212 = arith.addi %add3A_201, %convert_element_type3A_211 : vector<32x4096xi32>
    %gt3A_213 = arith.constant 19 : i32
    %gt3A_214 = vector.broadcast %gt3A_213 : i32 to vector<32x1xi32>
    %gt3A_215 = arith.cmpi sgt, %iota3A, %gt3A_214 : vector<32x1xi32>
    %convert_element_type3A_216 = arith.extui %gt3A_215 : vector<32x1xi1> to vector<32x1xi32>
    %slice3A_217 = vector.extract_strided_slice %mul3A_6 {offsets = [19, 0], sizes = [1, 4096], strides = [1, 1]} : vector<32x4096xi32> to vector<1x4096xi32>
    %add3A_218 = vector.broadcast %slice3A_217 : vector<1x4096xi32> to vector<32x4096xi32>
    %add3A_219 = vector.broadcast %convert_element_type3A_216 : vector<32x1xi32> to vector<32x4096xi32>
    %add3A_220 = arith.addi %add3A_218, %add3A_219 : vector<32x4096xi32>
    %gt3A_221 = arith.cmpi sgt, %add3A_220, %mul3A_6 : vector<32x4096xi32>
    %convert_element_type3A_222 = arith.extui %gt3A_221 : vector<32x4096xi1> to vector<32x4096xi32>
    %add3A_223 = arith.addi %add3A_212, %convert_element_type3A_222 : vector<32x4096xi32>
    %gt3A_224 = arith.constant 20 : i32
    %gt3A_225 = vector.broadcast %gt3A_224 : i32 to vector<32x1xi32>
    %gt3A_226 = arith.cmpi sgt, %iota3A, %gt3A_225 : vector<32x1xi32>
    %convert_element_type3A_227 = arith.extui %gt3A_226 : vector<32x1xi1> to vector<32x1xi32>
    %slice3A_228 = vector.extract_strided_slice %mul3A_6 {offsets = [20, 0], sizes = [1, 4096], strides = [1, 1]} : vector<32x4096xi32> to vector<1x4096xi32>
    %add3A_229 = vector.broadcast %slice3A_228 : vector<1x4096xi32> to vector<32x4096xi32>
    %add3A_230 = vector.broadcast %convert_element_type3A_227 : vector<32x1xi32> to vector<32x4096xi32>
    %add3A_231 = arith.addi %add3A_229, %add3A_230 : vector<32x4096xi32>
    %gt3A_232 = arith.cmpi sgt, %add3A_231, %mul3A_6 : vector<32x4096xi32>
    %convert_element_type3A_233 = arith.extui %gt3A_232 : vector<32x4096xi1> to vector<32x4096xi32>
    %add3A_234 = arith.addi %add3A_223, %convert_element_type3A_233 : vector<32x4096xi32>
    %gt3A_235 = arith.constant 21 : i32
    %gt3A_236 = vector.broadcast %gt3A_235 : i32 to vector<32x1xi32>
    %gt3A_237 = arith.cmpi sgt, %iota3A, %gt3A_236 : vector<32x1xi32>
    %convert_element_type3A_238 = arith.extui %gt3A_237 : vector<32x1xi1> to vector<32x1xi32>
    %slice3A_239 = vector.extract_strided_slice %mul3A_6 {offsets = [21, 0], sizes = [1, 4096], strides = [1, 1]} : vector<32x4096xi32> to vector<1x4096xi32>
    %add3A_240 = vector.broadcast %slice3A_239 : vector<1x4096xi32> to vector<32x4096xi32>
    %add3A_241 = vector.broadcast %convert_element_type3A_238 : vector<32x1xi32> to vector<32x4096xi32>
    %add3A_242 = arith.addi %add3A_240, %add3A_241 : vector<32x4096xi32>
    %gt3A_243 = arith.cmpi sgt, %add3A_242, %mul3A_6 : vector<32x4096xi32>
    %convert_element_type3A_244 = arith.extui %gt3A_243 : vector<32x4096xi1> to vector<32x4096xi32>
    %add3A_245 = arith.addi %add3A_234, %convert_element_type3A_244 : vector<32x4096xi32>
    %gt3A_246 = arith.constant 22 : i32
    %gt3A_247 = vector.broadcast %gt3A_246 : i32 to vector<32x1xi32>
    %gt3A_248 = arith.cmpi sgt, %iota3A, %gt3A_247 : vector<32x1xi32>
    %convert_element_type3A_249 = arith.extui %gt3A_248 : vector<32x1xi1> to vector<32x1xi32>
    %slice3A_250 = vector.extract_strided_slice %mul3A_6 {offsets = [22, 0], sizes = [1, 4096], strides = [1, 1]} : vector<32x4096xi32> to vector<1x4096xi32>
    %add3A_251 = vector.broadcast %slice3A_250 : vector<1x4096xi32> to vector<32x4096xi32>
    %add3A_252 = vector.broadcast %convert_element_type3A_249 : vector<32x1xi32> to vector<32x4096xi32>
    %add3A_253 = arith.addi %add3A_251, %add3A_252 : vector<32x4096xi32>
    %gt3A_254 = arith.cmpi sgt, %add3A_253, %mul3A_6 : vector<32x4096xi32>
    %convert_element_type3A_255 = arith.extui %gt3A_254 : vector<32x4096xi1> to vector<32x4096xi32>
    %add3A_256 = arith.addi %add3A_245, %convert_element_type3A_255 : vector<32x4096xi32>
    %gt3A_257 = arith.constant 23 : i32
    %gt3A_258 = vector.broadcast %gt3A_257 : i32 to vector<32x1xi32>
    %gt3A_259 = arith.cmpi sgt, %iota3A, %gt3A_258 : vector<32x1xi32>
    %convert_element_type3A_260 = arith.extui %gt3A_259 : vector<32x1xi1> to vector<32x1xi32>
    %slice3A_261 = vector.extract_strided_slice %mul3A_6 {offsets = [23, 0], sizes = [1, 4096], strides = [1, 1]} : vector<32x4096xi32> to vector<1x4096xi32>
    %add3A_262 = vector.broadcast %slice3A_261 : vector<1x4096xi32> to vector<32x4096xi32>
    %add3A_263 = vector.broadcast %convert_element_type3A_260 : vector<32x1xi32> to vector<32x4096xi32>
    %add3A_264 = arith.addi %add3A_262, %add3A_263 : vector<32x4096xi32>
    %gt3A_265 = arith.cmpi sgt, %add3A_264, %mul3A_6 : vector<32x4096xi32>
    %convert_element_type3A_266 = arith.extui %gt3A_265 : vector<32x4096xi1> to vector<32x4096xi32>
    %add3A_267 = arith.addi %add3A_256, %convert_element_type3A_266 : vector<32x4096xi32>
    %gt3A_268 = arith.constant 24 : i32
    %gt3A_269 = vector.broadcast %gt3A_268 : i32 to vector<32x1xi32>
    %gt3A_270 = arith.cmpi sgt, %iota3A, %gt3A_269 : vector<32x1xi32>
    %convert_element_type3A_271 = arith.extui %gt3A_270 : vector<32x1xi1> to vector<32x1xi32>
    %slice3A_272 = vector.extract_strided_slice %mul3A_6 {offsets = [24, 0], sizes = [1, 4096], strides = [1, 1]} : vector<32x4096xi32> to vector<1x4096xi32>
    %add3A_273 = vector.broadcast %slice3A_272 : vector<1x4096xi32> to vector<32x4096xi32>
    %add3A_274 = vector.broadcast %convert_element_type3A_271 : vector<32x1xi32> to vector<32x4096xi32>
    %add3A_275 = arith.addi %add3A_273, %add3A_274 : vector<32x4096xi32>
    %gt3A_276 = arith.cmpi sgt, %add3A_275, %mul3A_6 : vector<32x4096xi32>
    %convert_element_type3A_277 = arith.extui %gt3A_276 : vector<32x4096xi1> to vector<32x4096xi32>
    %add3A_278 = arith.addi %add3A_267, %convert_element_type3A_277 : vector<32x4096xi32>
    %gt3A_279 = arith.constant 25 : i32
    %gt3A_280 = vector.broadcast %gt3A_279 : i32 to vector<32x1xi32>
    %gt3A_281 = arith.cmpi sgt, %iota3A, %gt3A_280 : vector<32x1xi32>
    %convert_element_type3A_282 = arith.extui %gt3A_281 : vector<32x1xi1> to vector<32x1xi32>
    %slice3A_283 = vector.extract_strided_slice %mul3A_6 {offsets = [25, 0], sizes = [1, 4096], strides = [1, 1]} : vector<32x4096xi32> to vector<1x4096xi32>
    %add3A_284 = vector.broadcast %slice3A_283 : vector<1x4096xi32> to vector<32x4096xi32>
    %add3A_285 = vector.broadcast %convert_element_type3A_282 : vector<32x1xi32> to vector<32x4096xi32>
    %add3A_286 = arith.addi %add3A_284, %add3A_285 : vector<32x4096xi32>
    %gt3A_287 = arith.cmpi sgt, %add3A_286, %mul3A_6 : vector<32x4096xi32>
    %convert_element_type3A_288 = arith.extui %gt3A_287 : vector<32x4096xi1> to vector<32x4096xi32>
    %add3A_289 = arith.addi %add3A_278, %convert_element_type3A_288 : vector<32x4096xi32>
    %gt3A_290 = arith.constant 26 : i32
    %gt3A_291 = vector.broadcast %gt3A_290 : i32 to vector<32x1xi32>
    %gt3A_292 = arith.cmpi sgt, %iota3A, %gt3A_291 : vector<32x1xi32>
    %convert_element_type3A_293 = arith.extui %gt3A_292 : vector<32x1xi1> to vector<32x1xi32>
    %slice3A_294 = vector.extract_strided_slice %mul3A_6 {offsets = [26, 0], sizes = [1, 4096], strides = [1, 1]} : vector<32x4096xi32> to vector<1x4096xi32>
    %add3A_295 = vector.broadcast %slice3A_294 : vector<1x4096xi32> to vector<32x4096xi32>
    %add3A_296 = vector.broadcast %convert_element_type3A_293 : vector<32x1xi32> to vector<32x4096xi32>
    %add3A_297 = arith.addi %add3A_295, %add3A_296 : vector<32x4096xi32>
    %gt3A_298 = arith.cmpi sgt, %add3A_297, %mul3A_6 : vector<32x4096xi32>
    %convert_element_type3A_299 = arith.extui %gt3A_298 : vector<32x4096xi1> to vector<32x4096xi32>
    %add3A_300 = arith.addi %add3A_289, %convert_element_type3A_299 : vector<32x4096xi32>
    %gt3A_301 = arith.constant 27 : i32
    %gt3A_302 = vector.broadcast %gt3A_301 : i32 to vector<32x1xi32>
    %gt3A_303 = arith.cmpi sgt, %iota3A, %gt3A_302 : vector<32x1xi32>
    %convert_element_type3A_304 = arith.extui %gt3A_303 : vector<32x1xi1> to vector<32x1xi32>
    %slice3A_305 = vector.extract_strided_slice %mul3A_6 {offsets = [27, 0], sizes = [1, 4096], strides = [1, 1]} : vector<32x4096xi32> to vector<1x4096xi32>
    %add3A_306 = vector.broadcast %slice3A_305 : vector<1x4096xi32> to vector<32x4096xi32>
    %add3A_307 = vector.broadcast %convert_element_type3A_304 : vector<32x1xi32> to vector<32x4096xi32>
    %add3A_308 = arith.addi %add3A_306, %add3A_307 : vector<32x4096xi32>
    %gt3A_309 = arith.cmpi sgt, %add3A_308, %mul3A_6 : vector<32x4096xi32>
    %convert_element_type3A_310 = arith.extui %gt3A_309 : vector<32x4096xi1> to vector<32x4096xi32>
    %add3A_311 = arith.addi %add3A_300, %convert_element_type3A_310 : vector<32x4096xi32>
    %gt3A_312 = arith.constant 28 : i32
    %gt3A_313 = vector.broadcast %gt3A_312 : i32 to vector<32x1xi32>
    %gt3A_314 = arith.cmpi sgt, %iota3A, %gt3A_313 : vector<32x1xi32>
    %convert_element_type3A_315 = arith.extui %gt3A_314 : vector<32x1xi1> to vector<32x1xi32>
    %slice3A_316 = vector.extract_strided_slice %mul3A_6 {offsets = [28, 0], sizes = [1, 4096], strides = [1, 1]} : vector<32x4096xi32> to vector<1x4096xi32>
    %add3A_317 = vector.broadcast %slice3A_316 : vector<1x4096xi32> to vector<32x4096xi32>
    %add3A_318 = vector.broadcast %convert_element_type3A_315 : vector<32x1xi32> to vector<32x4096xi32>
    %add3A_319 = arith.addi %add3A_317, %add3A_318 : vector<32x4096xi32>
    %gt3A_320 = arith.cmpi sgt, %add3A_319, %mul3A_6 : vector<32x4096xi32>
    %convert_element_type3A_321 = arith.extui %gt3A_320 : vector<32x4096xi1> to vector<32x4096xi32>
    %add3A_322 = arith.addi %add3A_311, %convert_element_type3A_321 : vector<32x4096xi32>
    %gt3A_323 = arith.constant 29 : i32
    %gt3A_324 = vector.broadcast %gt3A_323 : i32 to vector<32x1xi32>
    %gt3A_325 = arith.cmpi sgt, %iota3A, %gt3A_324 : vector<32x1xi32>
    %convert_element_type3A_326 = arith.extui %gt3A_325 : vector<32x1xi1> to vector<32x1xi32>
    %slice3A_327 = vector.extract_strided_slice %mul3A_6 {offsets = [29, 0], sizes = [1, 4096], strides = [1, 1]} : vector<32x4096xi32> to vector<1x4096xi32>
    %add3A_328 = vector.broadcast %slice3A_327 : vector<1x4096xi32> to vector<32x4096xi32>
    %add3A_329 = vector.broadcast %convert_element_type3A_326 : vector<32x1xi32> to vector<32x4096xi32>
    %add3A_330 = arith.addi %add3A_328, %add3A_329 : vector<32x4096xi32>
    %gt3A_331 = arith.cmpi sgt, %add3A_330, %mul3A_6 : vector<32x4096xi32>
    %convert_element_type3A_332 = arith.extui %gt3A_331 : vector<32x4096xi1> to vector<32x4096xi32>
    %add3A_333 = arith.addi %add3A_322, %convert_element_type3A_332 : vector<32x4096xi32>
    %gt3A_334 = arith.constant 30 : i32
    %gt3A_335 = vector.broadcast %gt3A_334 : i32 to vector<32x1xi32>
    %gt3A_336 = arith.cmpi sgt, %iota3A, %gt3A_335 : vector<32x1xi32>
    %convert_element_type3A_337 = arith.extui %gt3A_336 : vector<32x1xi1> to vector<32x1xi32>
    %slice3A_338 = vector.extract_strided_slice %mul3A_6 {offsets = [30, 0], sizes = [1, 4096], strides = [1, 1]} : vector<32x4096xi32> to vector<1x4096xi32>
    %add3A_339 = vector.broadcast %slice3A_338 : vector<1x4096xi32> to vector<32x4096xi32>
    %add3A_340 = vector.broadcast %convert_element_type3A_337 : vector<32x1xi32> to vector<32x4096xi32>
    %add3A_341 = arith.addi %add3A_339, %add3A_340 : vector<32x4096xi32>
    %gt3A_342 = arith.cmpi sgt, %add3A_341, %mul3A_6 : vector<32x4096xi32>
    %convert_element_type3A_343 = arith.extui %gt3A_342 : vector<32x4096xi1> to vector<32x4096xi32>
    %add3A_344 = arith.addi %add3A_333, %convert_element_type3A_343 : vector<32x4096xi32>
    %gt3A_345 = arith.constant 31 : i32
    %gt3A_346 = vector.broadcast %gt3A_345 : i32 to vector<32x1xi32>
    %gt3A_347 = arith.cmpi sgt, %iota3A, %gt3A_346 : vector<32x1xi32>
    %convert_element_type3A_348 = arith.extui %gt3A_347 : vector<32x1xi1> to vector<32x1xi32>
    %slice3A_349 = vector.extract_strided_slice %mul3A_6 {offsets = [31, 0], sizes = [1, 4096], strides = [1, 1]} : vector<32x4096xi32> to vector<1x4096xi32>
    %add3A_350 = vector.broadcast %slice3A_349 : vector<1x4096xi32> to vector<32x4096xi32>
    %add3A_351 = vector.broadcast %convert_element_type3A_348 : vector<32x1xi32> to vector<32x4096xi32>
    %add3A_352 = arith.addi %add3A_350, %add3A_351 : vector<32x4096xi32>
    %gt3A_353 = arith.cmpi sgt, %add3A_352, %mul3A_6 : vector<32x4096xi32>
    %convert_element_type3A_354 = arith.extui %gt3A_353 : vector<32x4096xi1> to vector<32x4096xi32>
    %add3A_355 = arith.addi %add3A_344, %convert_element_type3A_354 : vector<32x4096xi32>
    %eq3A = arith.constant 0 : i32
    %eq3A_356 = vector.broadcast %eq3A : i32 to vector<32x4096xi32>
    %eq3A_357 = arith.cmpi eq, %add3A_355, %eq3A_356 : vector<32x4096xi32>
    %jit3A = arith.constant 0 : i32
    %broadcast_in_dim3A_358 = vector.broadcast %jit3A : i32 to vector<32x4096xi32>
    %select_n3A = arith.select %eq3A_357, %get3A_1, %broadcast_in_dim3A_358 : vector<32x4096xi1>, vector<32x4096xi32>
    %reduce_sum3A = arith.constant dense<0> : vector<4096xi32>
    %reduce_sum3A_359 = vector.multi_reduction <add>, %select_n3A, %reduce_sum3A [0] : vector<32x4096xi32> to vector<4096xi32>
    %broadcast_in_dim3A_360 = vector.shape_cast %reduce_sum3A_359 : vector<4096xi32> to vector<1x4096xi32>
    %swap3A = arith.constant 0 : index
    %swap3A_361 = arith.constant 0 : index
    %swap3A_362 = vector.load %arg3[%swap3A, %swap3A_361] : memref<16x4096xi32, #tpu.memory_space<vmem>>, vector<1x4096xi32>
    tpu.vector_store %arg3[%swap3A, %swap3A_361], %broadcast_in_dim3A_360 {strides = array<i32>} : memref<16x4096xi32, #tpu.memory_space<vmem>>, vector<1x4096xi32>,
    %eq3A_363 = arith.constant 1 : i32
    %eq3A_364 = vector.broadcast %eq3A_363 : i32 to vector<32x4096xi32>
    %eq3A_365 = arith.cmpi eq, %add3A_355, %eq3A_364 : vector<32x4096xi32>
    %jit3A_366 = arith.constant 0 : i32
    %broadcast_in_dim3A_367 = vector.broadcast %jit3A_366 : i32 to vector<32x4096xi32>
    %select_n3A_368 = arith.select %eq3A_365, %get3A_1, %broadcast_in_dim3A_367 : vector<32x4096xi1>, vector<32x4096xi32>
    %reduce_sum3A_369 = arith.constant dense<0> : vector<4096xi32>
    %reduce_sum3A_370 = vector.multi_reduction <add>, %select_n3A_368, %reduce_sum3A_369 [0] : vector<32x4096xi32> to vector<4096xi32>
    %broadcast_in_dim3A_371 = vector.shape_cast %reduce_sum3A_370 : vector<4096xi32> to vector<1x4096xi32>
    %swap3A_372 = arith.constant 1 : index
    %swap3A_373 = arith.constant 0 : index
    %swap3A_374 = vector.load %arg3[%swap3A_372, %swap3A_373] : memref<16x4096xi32, #tpu.memory_space<vmem>>, vector<1x4096xi32>
    tpu.vector_store %arg3[%swap3A_372, %swap3A_373], %broadcast_in_dim3A_371 {strides = array<i32>} : memref<16x4096xi32, #tpu.memory_space<vmem>>, vector<1x4096xi32>,
    %eq3A_375 = arith.constant 2 : i32
    %eq3A_376 = vector.broadcast %eq3A_375 : i32 to vector<32x4096xi32>
    %eq3A_377 = arith.cmpi eq, %add3A_355, %eq3A_376 : vector<32x4096xi32>
    %jit3A_378 = arith.constant 0 : i32
    %broadcast_in_dim3A_379 = vector.broadcast %jit3A_378 : i32 to vector<32x4096xi32>
    %select_n3A_380 = arith.select %eq3A_377, %get3A_1, %broadcast_in_dim3A_379 : vector<32x4096xi1>, vector<32x4096xi32>
    %reduce_sum3A_381 = arith.constant dense<0> : vector<4096xi32>
    %reduce_sum3A_382 = vector.multi_reduction <add>, %select_n3A_380, %reduce_sum3A_381 [0] : vector<32x4096xi32> to vector<4096xi32>
    %broadcast_in_dim3A_383 = vector.shape_cast %reduce_sum3A_382 : vector<4096xi32> to vector<1x4096xi32>
    %swap3A_384 = arith.constant 2 : index
    %swap3A_385 = arith.constant 0 : index
    %swap3A_386 = vector.load %arg3[%swap3A_384, %swap3A_385] : memref<16x4096xi32, #tpu.memory_space<vmem>>, vector<1x4096xi32>
    tpu.vector_store %arg3[%swap3A_384, %swap3A_385], %broadcast_in_dim3A_383 {strides = array<i32>} : memref<16x4096xi32, #tpu.memory_space<vmem>>, vector<1x4096xi32>,
    %eq3A_387 = arith.constant 3 : i32
    %eq3A_388 = vector.broadcast %eq3A_387 : i32 to vector<32x4096xi32>
    %eq3A_389 = arith.cmpi eq, %add3A_355, %eq3A_388 : vector<32x4096xi32>
    %jit3A_390 = arith.constant 0 : i32
    %broadcast_in_dim3A_391 = vector.broadcast %jit3A_390 : i32 to vector<32x4096xi32>
    %select_n3A_392 = arith.select %eq3A_389, %get3A_1, %broadcast_in_dim3A_391 : vector<32x4096xi1>, vector<32x4096xi32>
    %reduce_sum3A_393 = arith.constant dense<0> : vector<4096xi32>
    %reduce_sum3A_394 = vector.multi_reduction <add>, %select_n3A_392, %reduce_sum3A_393 [0] : vector<32x4096xi32> to vector<4096xi32>
    %broadcast_in_dim3A_395 = vector.shape_cast %reduce_sum3A_394 : vector<4096xi32> to vector<1x4096xi32>
    %swap3A_396 = arith.constant 3 : index
    %swap3A_397 = arith.constant 0 : index
    %swap3A_398 = vector.load %arg3[%swap3A_396, %swap3A_397] : memref<16x4096xi32, #tpu.memory_space<vmem>>, vector<1x4096xi32>
    tpu.vector_store %arg3[%swap3A_396, %swap3A_397], %broadcast_in_dim3A_395 {strides = array<i32>} : memref<16x4096xi32, #tpu.memory_space<vmem>>, vector<1x4096xi32>,
    %eq3A_399 = arith.constant 4 : i32
    %eq3A_400 = vector.broadcast %eq3A_399 : i32 to vector<32x4096xi32>
    %eq3A_401 = arith.cmpi eq, %add3A_355, %eq3A_400 : vector<32x4096xi32>
    %jit3A_402 = arith.constant 0 : i32
    %broadcast_in_dim3A_403 = vector.broadcast %jit3A_402 : i32 to vector<32x4096xi32>
    %select_n3A_404 = arith.select %eq3A_401, %get3A_1, %broadcast_in_dim3A_403 : vector<32x4096xi1>, vector<32x4096xi32>
    %reduce_sum3A_405 = arith.constant dense<0> : vector<4096xi32>
    %reduce_sum3A_406 = vector.multi_reduction <add>, %select_n3A_404, %reduce_sum3A_405 [0] : vector<32x4096xi32> to vector<4096xi32>
    %broadcast_in_dim3A_407 = vector.shape_cast %reduce_sum3A_406 : vector<4096xi32> to vector<1x4096xi32>
    %swap3A_408 = arith.constant 4 : index
    %swap3A_409 = arith.constant 0 : index
    %swap3A_410 = vector.load %arg3[%swap3A_408, %swap3A_409] : memref<16x4096xi32, #tpu.memory_space<vmem>>, vector<1x4096xi32>
    tpu.vector_store %arg3[%swap3A_408, %swap3A_409], %broadcast_in_dim3A_407 {strides = array<i32>} : memref<16x4096xi32, #tpu.memory_space<vmem>>, vector<1x4096xi32>,
    %eq3A_411 = arith.constant 5 : i32
    %eq3A_412 = vector.broadcast %eq3A_411 : i32 to vector<32x4096xi32>
    %eq3A_413 = arith.cmpi eq, %add3A_355, %eq3A_412 : vector<32x4096xi32>
    %jit3A_414 = arith.constant 0 : i32
    %broadcast_in_dim3A_415 = vector.broadcast %jit3A_414 : i32 to vector<32x4096xi32>
    %select_n3A_416 = arith.select %eq3A_413, %get3A_1, %broadcast_in_dim3A_415 : vector<32x4096xi1>, vector<32x4096xi32>
    %reduce_sum3A_417 = arith.constant dense<0> : vector<4096xi32>
    %reduce_sum3A_418 = vector.multi_reduction <add>, %select_n3A_416, %reduce_sum3A_417 [0] : vector<32x4096xi32> to vector<4096xi32>
    %broadcast_in_dim3A_419 = vector.shape_cast %reduce_sum3A_418 : vector<4096xi32> to vector<1x4096xi32>
    %swap3A_420 = arith.constant 5 : index
    %swap3A_421 = arith.constant 0 : index
    %swap3A_422 = vector.load %arg3[%swap3A_420, %swap3A_421] : memref<16x4096xi32, #tpu.memory_space<vmem>>, vector<1x4096xi32>
    tpu.vector_store %arg3[%swap3A_420, %swap3A_421], %broadcast_in_dim3A_419 {strides = array<i32>} : memref<16x4096xi32, #tpu.memory_space<vmem>>, vector<1x4096xi32>,
    %eq3A_423 = arith.constant 6 : i32
    %eq3A_424 = vector.broadcast %eq3A_423 : i32 to vector<32x4096xi32>
    %eq3A_425 = arith.cmpi eq, %add3A_355, %eq3A_424 : vector<32x4096xi32>
    %jit3A_426 = arith.constant 0 : i32
    %broadcast_in_dim3A_427 = vector.broadcast %jit3A_426 : i32 to vector<32x4096xi32>
    %select_n3A_428 = arith.select %eq3A_425, %get3A_1, %broadcast_in_dim3A_427 : vector<32x4096xi1>, vector<32x4096xi32>
    %reduce_sum3A_429 = arith.constant dense<0> : vector<4096xi32>
    %reduce_sum3A_430 = vector.multi_reduction <add>, %select_n3A_428, %reduce_sum3A_429 [0] : vector<32x4096xi32> to vector<4096xi32>
    %broadcast_in_dim3A_431 = vector.shape_cast %reduce_sum3A_430 : vector<4096xi32> to vector<1x4096xi32>
    %swap3A_432 = arith.constant 6 : index
    %swap3A_433 = arith.constant 0 : index
    %swap3A_434 = vector.load %arg3[%swap3A_432, %swap3A_433] : memref<16x4096xi32, #tpu.memory_space<vmem>>, vector<1x4096xi32>
    tpu.vector_store %arg3[%swap3A_432, %swap3A_433], %broadcast_in_dim3A_431 {strides = array<i32>} : memref<16x4096xi32, #tpu.memory_space<vmem>>, vector<1x4096xi32>,
    %eq3A_435 = arith.constant 7 : i32
    %eq3A_436 = vector.broadcast %eq3A_435 : i32 to vector<32x4096xi32>
    %eq3A_437 = arith.cmpi eq, %add3A_355, %eq3A_436 : vector<32x4096xi32>
    %jit3A_438 = arith.constant 0 : i32
    %broadcast_in_dim3A_439 = vector.broadcast %jit3A_438 : i32 to vector<32x4096xi32>
    %select_n3A_440 = arith.select %eq3A_437, %get3A_1, %broadcast_in_dim3A_439 : vector<32x4096xi1>, vector<32x4096xi32>
    %reduce_sum3A_441 = arith.constant dense<0> : vector<4096xi32>
    %reduce_sum3A_442 = vector.multi_reduction <add>, %select_n3A_440, %reduce_sum3A_441 [0] : vector<32x4096xi32> to vector<4096xi32>
    %broadcast_in_dim3A_443 = vector.shape_cast %reduce_sum3A_442 : vector<4096xi32> to vector<1x4096xi32>
    %swap3A_444 = arith.constant 7 : index
    %swap3A_445 = arith.constant 0 : index
    %swap3A_446 = vector.load %arg3[%swap3A_444, %swap3A_445] : memref<16x4096xi32, #tpu.memory_space<vmem>>, vector<1x4096xi32>
    tpu.vector_store %arg3[%swap3A_444, %swap3A_445], %broadcast_in_dim3A_443 {strides = array<i32>} : memref<16x4096xi32, #tpu.memory_space<vmem>>, vector<1x4096xi32>,
    %eq3A_447 = arith.constant 8 : i32
    %eq3A_448 = vector.broadcast %eq3A_447 : i32 to vector<32x4096xi32>
    %eq3A_449 = arith.cmpi eq, %add3A_355, %eq3A_448 : vector<32x4096xi32>
    %jit3A_450 = arith.constant 0 : i32
    %broadcast_in_dim3A_451 = vector.broadcast %jit3A_450 : i32 to vector<32x4096xi32>
    %select_n3A_452 = arith.select %eq3A_449, %get3A_1, %broadcast_in_dim3A_451 : vector<32x4096xi1>, vector<32x4096xi32>
    %reduce_sum3A_453 = arith.constant dense<0> : vector<4096xi32>
    %reduce_sum3A_454 = vector.multi_reduction <add>, %select_n3A_452, %reduce_sum3A_453 [0] : vector<32x4096xi32> to vector<4096xi32>
    %broadcast_in_dim3A_455 = vector.shape_cast %reduce_sum3A_454 : vector<4096xi32> to vector<1x4096xi32>
    %swap3A_456 = arith.constant 8 : index
    %swap3A_457 = arith.constant 0 : index
    %swap3A_458 = vector.load %arg3[%swap3A_456, %swap3A_457] : memref<16x4096xi32, #tpu.memory_space<vmem>>, vector<1x4096xi32>
    tpu.vector_store %arg3[%swap3A_456, %swap3A_457], %broadcast_in_dim3A_455 {strides = array<i32>} : memref<16x4096xi32, #tpu.memory_space<vmem>>, vector<1x4096xi32>,
    %eq3A_459 = arith.constant 9 : i32
    %eq3A_460 = vector.broadcast %eq3A_459 : i32 to vector<32x4096xi32>
    %eq3A_461 = arith.cmpi eq, %add3A_355, %eq3A_460 : vector<32x4096xi32>
    %jit3A_462 = arith.constant 0 : i32
    %broadcast_in_dim3A_463 = vector.broadcast %jit3A_462 : i32 to vector<32x4096xi32>
    %select_n3A_464 = arith.select %eq3A_461, %get3A_1, %broadcast_in_dim3A_463 : vector<32x4096xi1>, vector<32x4096xi32>
    %reduce_sum3A_465 = arith.constant dense<0> : vector<4096xi32>
    %reduce_sum3A_466 = vector.multi_reduction <add>, %select_n3A_464, %reduce_sum3A_465 [0] : vector<32x4096xi32> to vector<4096xi32>
    %broadcast_in_dim3A_467 = vector.shape_cast %reduce_sum3A_466 : vector<4096xi32> to vector<1x4096xi32>
    %swap3A_468 = arith.constant 9 : index
    %swap3A_469 = arith.constant 0 : index
    %swap3A_470 = vector.load %arg3[%swap3A_468, %swap3A_469] : memref<16x4096xi32, #tpu.memory_space<vmem>>, vector<1x4096xi32>
    tpu.vector_store %arg3[%swap3A_468, %swap3A_469], %broadcast_in_dim3A_467 {strides = array<i32>} : memref<16x4096xi32, #tpu.memory_space<vmem>>, vector<1x4096xi32>,
    %eq3A_471 = arith.constant 10 : i32
    %eq3A_472 = vector.broadcast %eq3A_471 : i32 to vector<32x4096xi32>
    %eq3A_473 = arith.cmpi eq, %add3A_355, %eq3A_472 : vector<32x4096xi32>
    %jit3A_474 = arith.constant 0 : i32
    %broadcast_in_dim3A_475 = vector.broadcast %jit3A_474 : i32 to vector<32x4096xi32>
    %select_n3A_476 = arith.select %eq3A_473, %get3A_1, %broadcast_in_dim3A_475 : vector<32x4096xi1>, vector<32x4096xi32>
    %reduce_sum3A_477 = arith.constant dense<0> : vector<4096xi32>
    %reduce_sum3A_478 = vector.multi_reduction <add>, %select_n3A_476, %reduce_sum3A_477 [0] : vector<32x4096xi32> to vector<4096xi32>
    %broadcast_in_dim3A_479 = vector.shape_cast %reduce_sum3A_478 : vector<4096xi32> to vector<1x4096xi32>
    %swap3A_480 = arith.constant 10 : index
    %swap3A_481 = arith.constant 0 : index
    %swap3A_482 = vector.load %arg3[%swap3A_480, %swap3A_481] : memref<16x4096xi32, #tpu.memory_space<vmem>>, vector<1x4096xi32>
    tpu.vector_store %arg3[%swap3A_480, %swap3A_481], %broadcast_in_dim3A_479 {strides = array<i32>} : memref<16x4096xi32, #tpu.memory_space<vmem>>, vector<1x4096xi32>,
    %eq3A_483 = arith.constant 11 : i32
    %eq3A_484 = vector.broadcast %eq3A_483 : i32 to vector<32x4096xi32>
    %eq3A_485 = arith.cmpi eq, %add3A_355, %eq3A_484 : vector<32x4096xi32>
    %jit3A_486 = arith.constant 0 : i32
    %broadcast_in_dim3A_487 = vector.broadcast %jit3A_486 : i32 to vector<32x4096xi32>
    %select_n3A_488 = arith.select %eq3A_485, %get3A_1, %broadcast_in_dim3A_487 : vector<32x4096xi1>, vector<32x4096xi32>
    %reduce_sum3A_489 = arith.constant dense<0> : vector<4096xi32>
    %reduce_sum3A_490 = vector.multi_reduction <add>, %select_n3A_488, %reduce_sum3A_489 [0] : vector<32x4096xi32> to vector<4096xi32>
    %broadcast_in_dim3A_491 = vector.shape_cast %reduce_sum3A_490 : vector<4096xi32> to vector<1x4096xi32>
    %swap3A_492 = arith.constant 11 : index
    %swap3A_493 = arith.constant 0 : index
    %swap3A_494 = vector.load %arg3[%swap3A_492, %swap3A_493] : memref<16x4096xi32, #tpu.memory_space<vmem>>, vector<1x4096xi32>
    tpu.vector_store %arg3[%swap3A_492, %swap3A_493], %broadcast_in_dim3A_491 {strides = array<i32>} : memref<16x4096xi32, #tpu.memory_space<vmem>>, vector<1x4096xi32>,
    %eq3A_495 = arith.constant 12 : i32
    %eq3A_496 = vector.broadcast %eq3A_495 : i32 to vector<32x4096xi32>
    %eq3A_497 = arith.cmpi eq, %add3A_355, %eq3A_496 : vector<32x4096xi32>
    %jit3A_498 = arith.constant 0 : i32
    %broadcast_in_dim3A_499 = vector.broadcast %jit3A_498 : i32 to vector<32x4096xi32>
    %select_n3A_500 = arith.select %eq3A_497, %get3A_1, %broadcast_in_dim3A_499 : vector<32x4096xi1>, vector<32x4096xi32>
    %reduce_sum3A_501 = arith.constant dense<0> : vector<4096xi32>
    %reduce_sum3A_502 = vector.multi_reduction <add>, %select_n3A_500, %reduce_sum3A_501 [0] : vector<32x4096xi32> to vector<4096xi32>
    %broadcast_in_dim3A_503 = vector.shape_cast %reduce_sum3A_502 : vector<4096xi32> to vector<1x4096xi32>
    %swap3A_504 = arith.constant 12 : index
    %swap3A_505 = arith.constant 0 : index
    %swap3A_506 = vector.load %arg3[%swap3A_504, %swap3A_505] : memref<16x4096xi32, #tpu.memory_space<vmem>>, vector<1x4096xi32>
    tpu.vector_store %arg3[%swap3A_504, %swap3A_505], %broadcast_in_dim3A_503 {strides = array<i32>} : memref<16x4096xi32, #tpu.memory_space<vmem>>, vector<1x4096xi32>,
    %eq3A_507 = arith.constant 13 : i32
    %eq3A_508 = vector.broadcast %eq3A_507 : i32 to vector<32x4096xi32>
    %eq3A_509 = arith.cmpi eq, %add3A_355, %eq3A_508 : vector<32x4096xi32>
    %jit3A_510 = arith.constant 0 : i32
    %broadcast_in_dim3A_511 = vector.broadcast %jit3A_510 : i32 to vector<32x4096xi32>
    %select_n3A_512 = arith.select %eq3A_509, %get3A_1, %broadcast_in_dim3A_511 : vector<32x4096xi1>, vector<32x4096xi32>
    %reduce_sum3A_513 = arith.constant dense<0> : vector<4096xi32>
    %reduce_sum3A_514 = vector.multi_reduction <add>, %select_n3A_512, %reduce_sum3A_513 [0] : vector<32x4096xi32> to vector<4096xi32>
    %broadcast_in_dim3A_515 = vector.shape_cast %reduce_sum3A_514 : vector<4096xi32> to vector<1x4096xi32>
    %swap3A_516 = arith.constant 13 : index
    %swap3A_517 = arith.constant 0 : index
    %swap3A_518 = vector.load %arg3[%swap3A_516, %swap3A_517] : memref<16x4096xi32, #tpu.memory_space<vmem>>, vector<1x4096xi32>
    tpu.vector_store %arg3[%swap3A_516, %swap3A_517], %broadcast_in_dim3A_515 {strides = array<i32>} : memref<16x4096xi32, #tpu.memory_space<vmem>>, vector<1x4096xi32>,
    %eq3A_519 = arith.constant 14 : i32
    %eq3A_520 = vector.broadcast %eq3A_519 : i32 to vector<32x4096xi32>
    %eq3A_521 = arith.cmpi eq, %add3A_355, %eq3A_520 : vector<32x4096xi32>
    %jit3A_522 = arith.constant 0 : i32
    %broadcast_in_dim3A_523 = vector.broadcast %jit3A_522 : i32 to vector<32x4096xi32>
    %select_n3A_524 = arith.select %eq3A_521, %get3A_1, %broadcast_in_dim3A_523 : vector<32x4096xi1>, vector<32x4096xi32>
    %reduce_sum3A_525 = arith.constant dense<0> : vector<4096xi32>
    %reduce_sum3A_526 = vector.multi_reduction <add>, %select_n3A_524, %reduce_sum3A_525 [0] : vector<32x4096xi32> to vector<4096xi32>
    %broadcast_in_dim3A_527 = vector.shape_cast %reduce_sum3A_526 : vector<4096xi32> to vector<1x4096xi32>
    %swap3A_528 = arith.constant 14 : index
    %swap3A_529 = arith.constant 0 : index
    %swap3A_530 = vector.load %arg3[%swap3A_528, %swap3A_529] : memref<16x4096xi32, #tpu.memory_space<vmem>>, vector<1x4096xi32>
    tpu.vector_store %arg3[%swap3A_528, %swap3A_529], %broadcast_in_dim3A_527 {strides = array<i32>} : memref<16x4096xi32, #tpu.memory_space<vmem>>, vector<1x4096xi32>,
    %eq3A_531 = arith.constant 15 : i32
    %eq3A_532 = vector.broadcast %eq3A_531 : i32 to vector<32x4096xi32>
    %eq3A_533 = arith.cmpi eq, %add3A_355, %eq3A_532 : vector<32x4096xi32>
    %jit3A_534 = arith.constant 0 : i32
    %broadcast_in_dim3A_535 = vector.broadcast %jit3A_534 : i32 to vector<32x4096xi32>
    %select_n3A_536 = arith.select %eq3A_533, %get3A_1, %broadcast_in_dim3A_535 : vector<32x4096xi1>, vector<32x4096xi32>
    %reduce_sum3A_537 = arith.constant dense<0> : vector<4096xi32>
    %reduce_sum3A_538 = vector.multi_reduction <add>, %select_n3A_536, %reduce_sum3A_537 [0] : vector<32x4096xi32> to vector<4096xi32>
    %broadcast_in_dim3A_539 = vector.shape_cast %reduce_sum3A_538 : vector<4096xi32> to vector<1x4096xi32>
    %swap3A_540 = arith.constant 15 : index
    %swap3A_541 = arith.constant 0 : index
    %swap3A_542 = vector.load %arg3[%swap3A_540, %swap3A_541] : memref<16x4096xi32, #tpu.memory_space<vmem>>, vector<1x4096xi32>
    tpu.vector_store %arg3[%swap3A_540, %swap3A_541], %broadcast_in_dim3A_539 {strides = array<i32>} : memref<16x4096xi32, #tpu.memory_space<vmem>>, vector<1x4096xi32>,
    return
  }
  func.func @transform_0(%arg0: i32) -> (i32, i32) {
    %c0_i32 = arith.constant 0 : i32
    %c0_i32_0 = arith.constant 0 : i32
    return %c0_i32, %arg0 : i32, i32
  }
  func.func @transform_1(%arg0: i32) -> (i32, i32) {
    %c0_i32 = arith.constant 0 : i32
    %c0_i32_0 = arith.constant 0 : i32
    return %c0_i32, %arg0 : i32, i32
  }
  func.func @transform_2(%arg0: i32) -> (i32, i32) {
    %c0_i32 = arith.constant 0 : i32
    %c0_i32_0 = arith.constant 0 : i32
    return %c0_i32, %arg0 : i32, i32
  }
}

</mosaic_0001>

<sc_bundles>
// kernel: kernel.4.cloned.1.call-start
scs
__scs_entry_jumppad:
0x0: {  	(pc) =	sbr.rel $0x88, $3  }
0x1: {  	(tag) =	ssettag $0x0;
	lr =	simm.s32 $0x1  }
0x2: {  	[smem:$0x3F9E] =	sst lr;
	_ =	strace $0xD0000000  }
0x3: {  	_ = 	snop  }
0x4: {  	_ = 	snop  }
0x5: {  	_ = 	snop  }
0x6: {  	_ = 	snop  }
0x7: {  	_ = 	snop  }
__scs_overlays_trampoline_lowered:
0x8: {  	[smem:$0x3FAD] =	sst s0  }
0x9: {  	[smem:$0x3FAE] =	sst s1  }
0xa: {  	[smem:$0x3FAF] =	sst s2  }
0xb: {  	[smem:$0x3FB0] =	sst s3  }
0xc: {  	[smem:$0x3FB1] =	sst s4  }
0xd: {  	[smem:$0x3FB2] =	sst s5  }
0xe: {  	[smem:$0x3FB3] =	sst s6  }
0xf: {  	[smem:$0x3FB4] =	sst s7  }
0x10: {  	[smem:$0x3FB5] =	sst s8  }
0x11: {  	[smem:$0x3FB6] =	sst s9;
	s0 =	simm.s32 @!p0 $0x0  }
0x12: {  	s1 =	sld [smem:$0x3F9C];
	s0 =	simm.s32 @p0 $0x1  }
0x13: {  	[smem:$0x3FB7] =	sst s0;
	s0 =	simm.s32 @!p1 $0x0  }
0x14: {  	s2 =	sld [smem:$0x3F9B];
	s0 =	simm.s32 @p1 $0x1  }
0x15: {  	[smem:$0x3FB8] =	sst s0;
	s0 =	simm.s32 @!p2 $0x0  }
0x16: {  	s3 =	sld [smem:$0x3FDB];
	s0 =	simm.s32 @p2 $0x1  }
0x17: {  	s4 =	simm.s32 $0x1BF5;
	[smem:$0x3FBA] =	sst s0  }
0x18: {  	s0 =	sld [smem:$0x3F9D];
	_ =	swait.ge [sflag:s4], $0x0  }
0x19: {  	s7 =	sld [smem:$0x3F9E]  }
0x1a: {  	s8 =	sadd.s32 $0xFFFFE003, lr  }
0x1b: {  	s9 =	sadd.s32 $0xFFFFFEF7, lr;
	s5 =	simm.s32 $0xFFFFFFFF;
	p2 =	slt.u32 s8, $0xFFFFF086  }
0x1c: {  	p1 =	slt.u32 s9, $0xF7A;
	s5 =	simm.s32 @!p2 $0x0  }
0x1d: {  	s5 =	simm.s32 @p1 $0x1;
	p0 =	seq.s32 s7, s2  }
0x1e: {  	s7 =	smul.u32 @!p0 $0xF7A, s2;
	p2 =	seq.s32 @!p0 s5, $0x0  }
0x1f: {  	s9 =	smul.u32 $0xF7A, s1;
	s8 =	simm.s32 @!p0 $0x1BF5;
	p2 =	por !p2, p0  }
0x20: {  	[sflag:s8] =	ssyncset.s32 @!p0 $0xFFFFF086;
	s6 =	sadd.s32 @!p0 s3, s7;
	s7 =	simm.s32 @!p0 $0x108  }
0x21: {  	s3 =	sadd.s32 s3, s9;
	s6 =	sadd.s32 @!p0 $0x88, s6;
	s7 =	simm.s32 @p2 $0x1082  }
0x22: {  	[simem:s7], [sflag:s8] =	dma.local @!p0 [hbm:s6], $0xF7A  }
0x23: {  	s9 =	sor.u32 $0xD0000000, s2;
	s6 =	simm.s32 $0x108;
	_ =	swait.ge @!p0 [sflag:s8], $0x0  }
0x24: {  	s3 =	sadd.s32 $0x88, s3;
	s6 =	simm.s32 @!p1 $0x1082;
	[sflag:s4] =	ssyncset.s32 $0xFFFFF086  }
0x25: {  	[simem:s6], [sflag:s4] =	dma.local [hbm:s3], $0xF7A  }
0x26: {  	[smem:$0x3F9E] =	sst s1;
	(tag) =	ssettag s2;
	_ =	strace s9  }
0x27: {  	s1 =	sld [smem:$0x3FAE]  }
0x28: {  	s2 =	sld [smem:$0x3FAF]  }
0x29: {  	s4 =	sld [smem:$0x3FB1]  }
0x2a: {  	p0 =	seq.s32 s5, $0x0;
	s5 =	sld [smem:$0x3FB2]  }
0x2b: {  	s6 =	sld [smem:$0x3FB3]  }
0x2c: {  	s7 =	sld [smem:$0x3FB4]  }
0x2d: {  	s3 =	simm.s32 $0x108;
	s8 =	sld [smem:$0x3FB5]  }
0x2e: {  	s3 =	simm.s32 @!p0 $0x1082;
	s9 =	sld [smem:$0x3FB6]  }
0x2f: {  	lr =	sadd.s32 s0, s3;
	s0 =	sld [smem:$0x3FAD]  }
0x30: {  	s3 =	sld [smem:$0x3FB0]  }
0x31: {  	[smem:$0x3FB9] =	sst s10  }
0x32: {  	s10 =	sld [smem:$0x3FB7];
	_ =	sdelay $0x3  }
0x33: {  	p0 =	seq.s32 s10, $0x1;
	s10 =	sld [smem:$0x3FB9];
	_ =	sdelay $0x3  }
0x34: {  	[smem:$0x3FB9] =	sst s10  }
0x35: {  	s10 =	sld [smem:$0x3FB8];
	_ =	sdelay $0x3  }
0x36: {  	p1 =	seq.s32 s10, $0x1;
	s10 =	sld [smem:$0x3FB9];
	_ =	sdelay $0x3  }
0x37: {  	[smem:$0x3FB9] =	sst s10  }
0x38: {  	s10 =	sld [smem:$0x3FBA]  }
0x39: {  	_ = 	snop;
	(pc) =	sbr.ind lr, $3  }
0x3a: {  	_ = 	snop  }
0x3b: {  	_ = 	snop  }
0x3c: {  	p2 =	seq.s32 s10, $0x1;
	s10 =	sld [smem:$0x3FB9]  }
0x3d: {  	_ =	shalt  }
0x3e: {  	_ =	shalt  }
0x3f: {  	_ =	shalt  }
0x40: {  	_ =	shalt  }
0x41: {  	_ =	shalt  }
0x42: {  	_ =	shalt  }
0x43: {  	_ =	shalt  }
0x44: {  	_ =	shalt  }
0x45: {  	_ =	shalt  }
0x46: {  	_ =	shalt  }
0x47: {  	_ =	shalt  }
0x48: {  	_ =	shalt  }
0x49: {  	_ =	shalt  }
0x4a: {  	_ =	shalt  }
0x4b: {  	_ =	shalt  }
0x4c: {  	_ =	shalt  }
0x4d: {  	_ =	shalt  }
0x4e: {  	_ =	shalt  }
0x4f: {  	_ =	shalt  }
0x50: {  	_ =	shalt  }
0x51: {  	_ =	shalt  }
0x52: {  	_ =	shalt  }
0x53: {  	_ =	shalt  }
0x54: {  	_ =	shalt  }
0x55: {  	_ =	shalt  }
0x56: {  	_ =	shalt  }
0x57: {  	_ =	shalt  }
0x58: {  	_ =	shalt  }
0x59: {  	_ =	shalt  }
0x5a: {  	_ =	shalt  }
0x5b: {  	_ =	shalt  }
0x5c: {  	_ =	shalt  }
0x5d: {  	_ =	shalt  }
0x5e: {  	_ =	shalt  }
0x5f: {  	_ =	shalt  }
0x60: {  	_ =	shalt  }
0x61: {  	_ =	shalt  }
0x62: {  	_ =	shalt  }
0x63: {  	_ =	shalt  }
0x64: {  	_ =	shalt  }
0x65: {  	_ =	shalt  }
0x66: {  	_ =	shalt  }
0x67: {  	_ =	shalt  }
0x68: {  	_ =	shalt  }
0x69: {  	_ =	shalt  }
0x6a: {  	_ =	shalt  }
0x6b: {  	_ =	shalt  }
0x6c: {  	_ =	shalt  }
0x6d: {  	_ =	shalt  }
0x6e: {  	_ =	shalt  }
0x6f: {  	_ =	shalt  }
0x70: {  	_ =	shalt  }
0x71: {  	_ =	shalt  }
0x72: {  	_ =	shalt  }
0x73: {  	_ =	shalt  }
0x74: {  	_ =	shalt  }
0x75: {  	_ =	shalt  }
0x76: {  	_ =	shalt  }
0x77: {  	_ =	shalt  }
0x78: {  	_ =	shalt  }
0x79: {  	_ =	shalt  }
0x7a: {  	_ =	shalt  }
0x7b: {  	_ =	shalt  }
0x7c: {  	_ =	shalt  }
0x7d: {  	_ =	shalt  }
0x7e: {  	_ =	shalt  }
0x7f: {  	_ =	shalt  }
0x80: {  	_ =	shalt  }
0x81: {  	_ =	shalt  }
0x82: {  	_ =	shalt  }
0x83: {  	_ =	shalt  }
0x84: {  	_ =	shalt  }
0x85: {  	_ =	shalt  }
0x86: {  	_ =	shalt  }
0x87: {  	_ =	shalt  }
.Lfunc_end0:
.L_simem_size_0:
called_computation_lowered:
.L_overlay_start_0:
0x88: {  	s2 =	sld [smem:$0x3FD9]  }
0x89: {  	s3 =	sld [smem:$0x3FFE];
	_ =	sdelay $0x1  }
0x8a: {  	s1 =	srdreg.scid  }
0x8b: {  	s0 =	sand.u32 $0x1, s1  }
0x8c: {  	s17 =	sshll.u32 s0, $0xA;
	s2 =	sadd.s32 s3, s2  }
0x8d: {  	s2 =	sadd.s32 s2, s17  }
0x8e: {  	[smem:$0x3FC5] =	sst s2  }
0x8f: {  	_ = 	snop  }
0x90: {  	s2 =	sld [smem:$0x3FC9]  }
0x91: {  	s18 =	sld [smem:$0x3FC8]  }
0x92: {  	s4 =	sld [smem:$0x3FC7];
	(tm) =	ssettm $0x1  }
0x93: {  	s5 =	sld [smem:$0x3FFB];
	_ =	sdelay $0x3  }
0x94: {  	_ =	strace s5  }
0x95: {  	s5 =	sld [smem:$0x3FFC];
	_ =	sdelay $0x3  }
0x96: {  	_ =	strace s5  }
0x97: {  	s5 =	sld [smem:$0x3FFD];
	_ =	sdelay $0x3  }
0x98: {  	_ =	strace s5  }
0x99: {  	_ =	strace $0x8FFFFFFF  }
0x9a: {  	s19 =	sld [smem:$0x3FDB];
	_ =	sdelay $0x1  }
0x9b: {  	s6 =	simm.s32 $_scs_section_size  }
0x9c: {  	s7 =	simm.s32 $_size__tile_overlayer_lowered;
	s8 =	simm.s32 $_tile_overlayer_lowered  }
0x9d: {  	s22 =	simm.s32 $0x1BFF;
	s21 =	sshll.u32 s8, $0x1;
	s5 =	sadd.s32 s6, s19  }
0x9e: {  	s9 =	simm.s32 $0x0;
	s20 =	sshll.u32 s7, $0x1;
	s7 =	sadd.s32 s21, s5  }
0x9f: {  	[timem:s9], [sflag:s22] =	dma.local [hbm:s7], s20  }
0xa0: {  	_ =	swait.ge [sflag:s22], s20  }
0xa1: {  	s6 =	ssub.s32 $0x0, s20;
	[sflag:s22] =	ssyncset.done $0x0  }
0xa2: {  	[sflag:s22] =	ssyncadd.s32 s6;
	_ =	sdelay $0x1  }
0xa3: {  	s23 =	simm.s32 $0x1B8B  }
0xa4: {  	_ =	swait.ge [sflag:s23], $0x1  }
0xa5: {  	[sflag:s23] =	ssyncset.done $0x0  }
0xa6: {  	s25 =	simm.s32 $0x1B8E;
	s24 =	sld [smem:$0x3FFE];
	[sflag:s23] =	ssyncadd.s32 $0xFFFFFFFF  }
0xa7: {  	s26 =	simm.s32 $execute0_lowered;
	[smem:$0x3FD2] =	sst s25  }
0xa8: {  	s7 =	sshll.u32 s26, $0x1;
	_ =	strace $0x80000046;
	[dreg:$0x1] =	wrdreg $0xFFFFFFFF  }
0xa9: {  	s28 =	simm.s32 $_size_execute0_lowered;
	s5 =	sadd.s32 s5, s7;
	[dreg:$0x0] =	wrdreg $0x0  }
0xaa: {  	s7 =	sshll.u32 s28, $0x1;
	[dreg:$0x2] =	wrdreg s5  }
0xab: {  	[dreg:$0x3] =	wrdreg s7  }
0xac: {  	[dreg:$0x4] =	wrdreg $0xC0  }
0xad: {  	_ =	task [dreg:s9], $0x5FFFF  }
0xae: {  	[dreg:$0x1] =	wrdreg $0xFFFFFFFF  }
0xaf: {  	[dreg:$0x0] =	wrdreg $0x60  }
0xb0: {  	[dreg:$0x2] =	wrdreg s2  }
0xb1: {  	[dreg:$0x3] =	wrdreg s18  }
0xb2: {  	[dreg:$0x4] =	wrdreg s4  }
0xb3: {  	[dreg:$0x5] =	wrdreg s24  }
0xb4: {  	[dreg:$0x6] =	wrdreg $0x1E7000  }
0xb5: {  	[dreg:$0x7] =	wrdreg $0x1F3380  }
0xb6: {  	[dreg:$0x8] =	wrdreg $0x9  }
0xb7: {  	_ =	task.clear_ibuf [dreg:s9], $0x9FFFF;
	_ =	strace $0x90000046  }
0xb8: {  	s29 =	simm.s32 $0x9;
	_ =	strace $0x80000048  }
0xb9: {  	_ =	swait.ge [sflag:s29], $0x1  }
0xba: {  	[sflag:s29] =	ssyncadd.s32 $0xFFFFFFFF  }
0xbb: {  	_ =	strace $0x90000048  }
0xbc: {  	_ =	sfence  }
0xbd: {  	s30 =	sld [smem:$0x0];
	_ =	sdelay $0x2  }
0xbe: {  	s31 =	sshll.u32 s1, $0xD;
	s1 =	sshrl.u32 s1, $0x2  }
0xbf: {  	s3 =	sand.u32 $0x4000, s31;
	s1 =	sadd.s32 s1, s30  }
0xc0: {  	s0 =	sor.u32 s3, s0;
	s1 =	sshll.u32 s1, $0x11  }
0xc1: {  	s0 =	sor.u32 s1, s0  }
0xc2: {  	s0 =	sadd.s32 $0x8F2B, s0  }
0xc3: {  	[sflag:s0] =	ssyncadd.remote.s32 $0x1  }
0xc4: {  	_ =	sfence.sel $0xFFFF  }
0xc5: {  	[dreg:$0x0] =	wrdreg $0xFFFFFFFF;
	(pc) =	sbr.abs _section_cstart, $3  }
0xc6: {  	[dreg:$0x1] =	wrdreg $0xFFFFFFFF  }
0xc7: {  	_ =	task.clear_ibuf [dreg:s9], $0x2FFFF;
	_ =	strace $0x9FFFFFFF  }
0xc8: {  	(tm) =	ssettm $0x7FFFFFFF  }
0xc9: {  	_ =	shalt  }
tec
execute0_lowered:
.L_overlay_start_1:
0x0: {  	(tag) =	ssettag $0x1  }
0x1: {  	s0 =	rddreg [dreg:$0x0]  }
0x2: {  	s1 =	rddreg [dreg:$0x1]  }
0x3: {  	s2 =	rddreg [dreg:$0x2]  }
0x4: {  	s4 =	rddreg [dreg:$0x3]  }
0x5: {  	s12 =	rddreg [dreg:$0x4]  }
0x6: {  	s13 =	rddreg [dreg:$0x5]  }
0x7: {  	s3 =	simm.s32 $0x0;
	s6 =	srdreg.scid;
	s14 =	stileid.u32  }
0x8: {  	s28 =	simm.s32 $0x12380;
	s29 =	simm.s32 $0x2;
	s30 =	simm.s32 $0x3  }
0x9: {  	s31 =	simm.s32 $0x1000;
	[smem:$0x7FF] =	sst s3;
	s5 =	sadd.s32 $0xC00, s4  }
0xa: {  	s4 =	sadd.s32 $0x10C00, s4;
	s6 =	sand.u32 $0x1, s6;
	s7 =	sshrl.u32 s14, $0x2  }
0xb: {  	s8 =	sshll.u32 s14, $0x8;
	p0 =	seq.s32 s14, $0xF;
	s18 =	sshll.u32 s14, $0x7  }
0xc: {  	s19 =	sshll.u32 s14, $0xA;
	s22 =	sadd.s32 $0x1000, s13;
	_ =	strace $0x80000047  }
0xd: {  	s9 =	sshll.u32 s6, $0x7;
	s8 =	sand.u32 $0x300, s8;
	s10 =	smul.u32 $0x61C00, s7  }
0xe: {  	s6 =	ssub.s32 $0x2, s6;
	s17 =	sshll.u32 s7, $0x11;
	s0 =	sadd.s32 s0, s18  }
0xf: {  	s20 =	sadd.s32 s19, s13;
	[dreg:$0xc] =	wrdreg s22;
	s7 =	simm.s32 $0x4  }
0x10: {  	s8 =	sor.u32 s9, s8;
	s9 =	smul.u32 $0xC80, s14;
	[dreg:$0xa] =	wrdreg s0  }
0x11: {  	s11 =	sshrl.u32 s6, $0x1;
	[dreg:$0xb] =	wrdreg s20;
	s10 =	sor.u32 s10, s8  }
0x12: {  	s14 =	sadd.s32 $0x2000, s13;
	s11 =	ssub.s32 s6, s11;
	s10 =	sshrl.u32 s10, $0x3  }
0x13: {  	s9 =	simm.s32 @p0 $0xB6D0;
	s22 =	smax.u32 s11, $0x1;
	s1 =	sadd.s32 s1, s10  }
0x14: {  	s15 =	sshrl.u32 s9, $0x3;
	s16 =	sadd.s32 s9, s12;
	[dreg:$0x7] =	wrdreg s1  }
0x15: {  	s6 =	sadd.s32 $0x12380, s9;
	s1 =	sadd.s32 s2, s15;
	[dreg:$0x9] =	wrdreg s16  }
0x16: {  	s2 =	simm.s32 $0x3000;
	[dreg:$0x8] =	wrdreg s1;
	s1 =	sor.u32 s17, s8  }
0x17: {  	s17 =	sadd.s32 $0x3000, s13;
	s8 =	simm.s32 $0x0;
	s21 =	sshrl.u32 s1, $0x3  }
0x18: {  	s1 =	simm.s32 $0x1;
	s23 =	sadd.s32 s5, s21;
	s24 =	sor.u32 $0x1000, s21  }
0x19: {  	s25 =	sadd.s32 s4, s21;
	s26 =	sor.u32 $0x2000, s21;
	[dreg:$0xd] =	wrdreg s23  }
0x1a: {  	s0 =	sor.u32 $0x3000, s21;
	[dreg:$0xe] =	wrdreg s25;
	s15 =	sadd.s32 s5, s24  }
0x1b: {  	s16 =	sadd.s32 s4, s24;
	s18 =	sadd.s32 s5, s26;
	s19 =	sadd.s32 s4, s26  }
0x1c: {  	s20 =	sadd.s32 s5, s0;
	s21 =	sadd.s32 s4, s0;
	s23 =	simm.s32 $0x80  }
0x1d: {  	s24 =	simm.s32 $0x400;
	s25 =	simm.s32 $0x6000;
	s26 =	simm.s32 $0x5  }
0x1e: {  	s0 =	simm.s32 $0x2000;
	s4 =	simm.s32 $0x4000;
	s5 =	simm.s32 $0x5000  }
.LBB2_1:
0x1f: {  	s9 =	rddreg [dreg:$0x7]  }
0x20: {  	[tilespmem:s25], [sflag:$0x2] =	stream.strided.gather [hbm4b:s9+s23], $0xC380, s24, s23, $0x38;
	[tilespmem:$0x1F738] =	vst v63  }
0x21: {  	s13 =	rddreg [dreg:$0x8]  }
0x22: {  	[tilespmem:s6], [sflag:$0x5] =	stream.linear.gather [hbm4b:s13+s3], $0xC80, $0x38;
	[tilespmem:$0x1F738] =	vst v63  }
0x23: {  	_ =	swait.ge [sflag:s26], $0xC80  }
0x24: {  	[sflag:s26] =	ssyncset.done $0x0  }
0x25: {  	s10 =	rddreg [dreg:$0x9];
	[sflag:s26] =	ssyncadd.s32 $0xFFFFF380  }
0x26: {  	[spmem:s10] =	stream.linear.scatter [tilespmem:s6], [sflag:$0x5], $0xC80, $0x38;
	[tilespmem:$0x1F738] =	vst v63  }
0x27: {  	_ =	swait.ge [sflag:s26], $0xC80  }
0x28: {  	[sflag:s26] =	ssyncset.done $0x0  }
0x29: {  	s11 =	rddreg [dreg:$0xa];
	[sflag:s26] =	ssyncadd.s32 $0xFFFFF380  }
0x2a: {  	[tilespmem:s3], [sflag:$0x5] =	stream.linear.gather [hbm4b:s11+s3], $0x400, $0x38;
	[tilespmem:$0x1F738] =	vst v63  }
0x2b: {  	_ =	swait.ge [sflag:s26], $0x400  }
0x2c: {  	[sflag:s26] =	ssyncset.done $0x0  }
0x2d: {  	s12 =	rddreg [dreg:$0xb];
	[sflag:s26] =	ssyncadd.s32 $0xFFFFFC00  }
0x2e: {  	[spmem:s12] =	stream.linear.scatter [tilespmem:s3], [sflag:$0x5], $0x400, $0x38;
	[tilespmem:$0x1F738] =	vst v63  }
0x2f: {  	_ =	swait.ge [sflag:s26], $0x400  }
0x30: {  	[sflag:s26] =	ssyncset.done $0x0  }
0x31: {  	[sflag:s26] =	ssyncadd.s32 $0xFFFFFC00  }
0x32: {  	[bflag:$0x0] =	sbarrier.arrive $0xFFFF  }
0x33: {  	s13 =	rddreg [dreg:$0x4]  }
0x34: {  	[tilespmem:s28], [sflag:$0x3] =	stream.linear.gather [spmem:s13], $0xC380, $0x38;
	[tilespmem:$0x1F738] =	vst v63  }
0x35: {  	s10 =	rddreg [dreg:$0x5]  }
0x36: {  	[tilespmem:s3], [sflag:$0x5] =	stream.linear.gather [spmem:s10], $0x1000, $0x38;
	[tilespmem:$0x1F738] =	vst v63  }
0x37: {  	_ =	swait.ge [sflag:s26], $0x1000  }
0x38: {  	[sflag:s26] =	ssyncset.done $0x0  }
0x39: {  	[sflag:s26] =	ssyncadd.s32 $0xFFFFF000  }
0x3a: {  	_ =	swait.ge [sflag:s29], $0xC380  }
0x3b: {  	[sflag:s29] =	ssyncset.done $0x0  }
0x3c: {  	[sflag:s29] =	ssyncadd.s32 $0xFFFF3C80  }
0x3d: {  	_ =	swait.ge [sflag:s30], $0xC380  }
0x3e: {  	[sflag:s30] =	ssyncset.done $0x0  }
0x3f: {  	s12 =	simm.s32 $0x20;
	s11 =	rddreg [dreg:$0xc];
	[sflag:s30] =	ssyncadd.s32 $0xFFFF3C80  }
0x40: {  	[tilespmem:s31], [sflag:$0x1] =	stream.linear.gather [spmem:s11], $0x1000, $0x38;
	[tilespmem:$0x1F738] =	vst v63  }
0x41: {  	v0 =	vld [tilespmem:s12+$0x10]  }
0x42: {  	v2 =	vld [tilespmem:s12+$0xFFFFFFE0];
	_ =	sdelay $0x2  }
0x43: {  	v1 =	vld [tilespmem:s12+$0xFFFFFFF0]  }
0x44: {  	s13 =	simm.s32 $0x60;
	v3 =	vld [tilespmem:s12+$0x0]  }
0x45: {  	v4 =	vld [tilespmem:s13+$0x10]  }
0x46: {  	v5 =	vld [tilespmem:s13+$0xFFFFFFF0]  }
0x47: {  	v0 =	vld.idx.msk [tilespmem:v0+s25+$0x0], $0xffff  }
0x48: {  	v2 =	vld.idx.msk [tilespmem:v2+s25+$0x0], $0xffff  }
0x49: {  	v6 =	vld [tilespmem:s13+$0x0]  }
0x4a: {  	v7 =	vld [tilespmem:s13+$0xFFFFFFE0]  }
0x4b: {  	s12 =	simm.s32 $0xA0;
	v1 =	vld.idx.msk [tilespmem:v1+s25+$0x0], $0xffff  }
0x4c: {  	v10 =	vld [tilespmem:s12+$0xFFFFFFF0]  }
0x4d: {  	s10 =	simm.s32 $0x2020;
	v11 =	vld [tilespmem:s12+$0xFFFFFFE0]  }
0x4e: {  	v3 =	vld.idx.msk [tilespmem:v3+s25+$0x0], $0xffff;
	[tilespmem:s10+$0x10] =	vst v0  }
0x4f: {  	[tilespmem:s10+$0xFFFFFFE0] =	vst v2;
	v8 =	vld.idx.msk [tilespmem:v0+s28+$0x0], $0xffff  }
0x50: {  	v9 =	vld.idx.msk [tilespmem:v2+s28+$0x0], $0xffff  }
0x51: {  	v2 =	vld.idx.msk [tilespmem:v4+s25+$0x0], $0xffff  }
0x52: {  	[tilespmem:s10+$0xFFFFFFF0] =	vst v1;
	v4 =	vld.idx.msk [tilespmem:v5+s25+$0x0], $0xffff  }
0x53: {  	v1 =	vld.idx.msk [tilespmem:v1+s28+$0x0], $0xffff  }
0x54: {  	v5 =	vld.idx.msk [tilespmem:v7+s25+$0x0], $0xffff  }
0x55: {  	v7 =	vld [tilespmem:s12+$0x10]  }
0x56: {  	s9 =	simm.s32 $0x4020;
	[tilespmem:s10+$0x0] =	vst v3;
	v0 =	vld.idx.msk [tilespmem:v6+s25+$0x0], $0xffff  }
0x57: {  	s11 =	simm.s32 $0x2060;
	[tilespmem:s9+$0x10] =	vst v8;
	v8 =	vld [tilespmem:s12+$0x0]  }
0x58: {  	v6 =	vld.idx.msk [tilespmem:v3+s28+$0x0], $0xffff;
	[tilespmem:s11+$0x10] =	vst v2  }
0x59: {  	[tilespmem:s11+$0xFFFFFFF0] =	vst v4;
	v12 =	vld.idx.msk [tilespmem:v2+s28+$0x0], $0xffff  }
0x5a: {  	[tilespmem:s11+$0xFFFFFFE0] =	vst v5;
	v13 =	vld.idx.msk [tilespmem:v4+s28+$0x0], $0xffff  }
0x5b: {  	v3 =	vld.idx.msk [tilespmem:v10+s25+$0x0], $0xffff;
	[tilespmem:s9+$0xFFFFFFF0] =	vst v1  }
0x5c: {  	[tilespmem:s9+$0xFFFFFFE0] =	vst v9;
	v2 =	vld.idx.msk [tilespmem:v5+s28+$0x0], $0xffff  }
0x5d: {  	s10 =	simm.s32 $0x4060;
	[tilespmem:s11+$0x0] =	vst v0;
	v4 =	vld.idx.msk [tilespmem:v7+s25+$0x0], $0xffff  }
0x5e: {  	v5 =	vld.idx.msk [tilespmem:v11+s25+$0x0], $0xffff;
	[tilespmem:s10+$0x10] =	vst v12  }
0x5f: {  	s13 =	simm.s32 $0xE0;
	s12 =	simm.s32 $0x80;
	v1 =	vld.idx.msk [tilespmem:v8+s25+$0x0], $0xffff;
	[tilespmem:s10+$0xFFFFFFF0] =	vst v13  }
.LBB2_2:
0x60: {  	v7 =	vld [tilespmem:s13+$0x10];
	s12 =	sadd.s32 $0x40, s12;
	[tilespmem:s9+$0x0] =	vst v6;
	s9 =	smov.u32 s10  }
0x61: {  	v8 =	vld [tilespmem:s13+$0xFFFFFFF0];
	p0 =	slt.u32 s12, $0xFC0;
	[tilespmem:s10+$0xFFFFFFE0] =	vst v2  }
0x62: {  	s11 =	sadd.s32 $0x40, s11;
	v9 =	vld [tilespmem:s13+$0x0]  }
0x63: {  	v10 =	vld [tilespmem:s13+$0xFFFFFFE0];
	[tilespmem:s11+$0x10] =	vst v4  }
0x64: {  	[tilespmem:s11+$0xFFFFFFF0] =	vst v3;
	v11 =	vld.idx.msk [tilespmem:v4+s28+$0x0], $0xffff  }
0x65: {  	[tilespmem:s11+$0xFFFFFFE0] =	vst v5;
	v12 =	vld.idx.msk [tilespmem:v3+s28+$0x0], $0xffff  }
0x66: {  	[tilespmem:s11+$0x0] =	vst v1;
	v6 =	vld.idx.msk [tilespmem:v0+s28+$0x0], $0xffff;
	v0 =	vmov v1  }
.Ltmp0:
0x67: {  	v2 =	vld.idx.msk [tilespmem:v5+s28+$0x0], $0xffff;
	(pc) =	sbr.rel @p0 .LBB2_2-.Ltmp0, $4  }
0x68: {  	v4 =	vld.idx.msk [tilespmem:v7+s25+$0x0], $0xffff  }
0x69: {  	s10 =	sadd.s32 $0x40, s10;
	v3 =	vld.idx.msk [tilespmem:v8+s25+$0x0], $0xffff  }
0x6a: {  	v1 =	vld.idx.msk [tilespmem:v9+s25+$0x0], $0xffff;
	[tilespmem:s10+$0x10] =	vst v11  }
0x6b: {  	s13 =	sadd.s32 $0x40, s13;
	v5 =	vld.idx.msk [tilespmem:v10+s25+$0x0], $0xffff;
	[tilespmem:s10+$0xFFFFFFF0] =	vst v12  }
0x6c: {  	_ =	sdelay $0x2  }
0x6d: {  	s11 =	sadd.s32 $0x40, s11;
	[tilespmem:s9+$0x0] =	vst v6  }
0x6e: {  	v0 =	vld.idx.msk [tilespmem:v0+s28+$0x0], $0xffff;
	[tilespmem:s11+$0x10] =	vst v4  }
0x6f: {  	[tilespmem:s11+$0xFFFFFFF0] =	vst v3;
	v4 =	vld.idx.msk [tilespmem:v4+s28+$0x0], $0xffff  }
0x70: {  	v3 =	vld.idx.msk [tilespmem:v3+s28+$0x0], $0xffff;
	[tilespmem:s11+$0x0] =	vst v1  }
0x71: {  	[tilespmem:s11+$0xFFFFFFE0] =	vst v5;
	v1 =	vld.idx.msk [tilespmem:v1+s28+$0x0], $0xffff  }
0x72: {  	[tilespmem:s10+$0xFFFFFFE0] =	vst v2;
	v5 =	vld.idx.msk [tilespmem:v5+s28+$0x0], $0xffff  }
0x73: {  	s13 =	sadd.s32 $0x40, s10;
	[tilespmem:s10+$0x0] =	vst v0  }
0x74: {  	[tilespmem:s13+$0x10] =	vst v4  }
0x75: {  	[tilespmem:s13+$0xFFFFFFF0] =	vst v3  }
0x76: {  	[tilespmem:s13+$0x0] =	vst v1  }
0x77: {  	[tilespmem:s13+$0xFFFFFFE0] =	vst v5  }
0x78: {  	s9 =	rddreg [dreg:$0xd]  }
0x79: {  	[hbm4b:s9+s23] =	stream.strided.scatter [tilespmem:s0], [sflag:$0x4], $0x1000, s24, s23, $0x38;
	[tilespmem:$0x1F738] =	vst v63  }
0x7a: {  	s10 =	rddreg [dreg:$0xe]  }
0x7b: {  	[hbm4b:s10+s23] =	stream.strided.scatter [tilespmem:s4], [sflag:$0x4], $0x1000, s24, s23, $0x38;
	[tilespmem:$0x1F738] =	vst v63  }
0x7c: {  	_ =	swait.ge [sflag:s1], $0x1000  }
0x7d: {  	[sflag:s1] =	ssyncset.done $0x0  }
0x7e: {  	s11 =	simm.s32 $0x1020;
	[sflag:s1] =	ssyncadd.s32 $0xFFFFF000  }
0x7f: {  	[tilespmem:s3], [sflag:$0x1] =	stream.linear.gather [spmem:s14], $0x1000, $0x38;
	[tilespmem:$0x1F738] =	vst v63  }
0x80: {  	v0 =	vld [tilespmem:s11+$0x10]  }
0x81: {  	v2 =	vld [tilespmem:s11+$0xFFFFFFE0];
	_ =	sdelay $0x2  }
0x82: {  	v1 =	vld [tilespmem:s11+$0xFFFFFFF0]  }
0x83: {  	s12 =	simm.s32 $0x1060;
	v3 =	vld [tilespmem:s11+$0x0]  }
0x84: {  	v4 =	vld [tilespmem:s12+$0x10]  }
0x85: {  	v5 =	vld [tilespmem:s12+$0xFFFFFFF0]  }
0x86: {  	v0 =	vld.idx.msk [tilespmem:v0+s25+$0x0], $0xffff  }
0x87: {  	v2 =	vld.idx.msk [tilespmem:v2+s25+$0x0], $0xffff  }
0x88: {  	v6 =	vld [tilespmem:s12+$0x0]  }
0x89: {  	v7 =	vld [tilespmem:s12+$0xFFFFFFE0]  }
0x8a: {  	s12 =	simm.s32 $0x10A0;
	v1 =	vld.idx.msk [tilespmem:v1+s25+$0x0], $0xffff  }
0x8b: {  	v10 =	vld [tilespmem:s12+$0xFFFFFFF0]  }
0x8c: {  	s13 =	simm.s32 $0x3020;
	v11 =	vld [tilespmem:s12+$0xFFFFFFE0]  }
0x8d: {  	v3 =	vld.idx.msk [tilespmem:v3+s25+$0x0], $0xffff;
	[tilespmem:s13+$0x10] =	vst v0  }
0x8e: {  	[tilespmem:s13+$0xFFFFFFE0] =	vst v2;
	v8 =	vld.idx.msk [tilespmem:v0+s28+$0x0], $0xffff  }
0x8f: {  	v9 =	vld.idx.msk [tilespmem:v2+s28+$0x0], $0xffff  }
0x90: {  	v2 =	vld.idx.msk [tilespmem:v4+s25+$0x0], $0xffff  }
0x91: {  	[tilespmem:s13+$0xFFFFFFF0] =	vst v1;
	v4 =	vld.idx.msk [tilespmem:v5+s25+$0x0], $0xffff  }
0x92: {  	v1 =	vld.idx.msk [tilespmem:v1+s28+$0x0], $0xffff  }
0x93: {  	v5 =	vld.idx.msk [tilespmem:v7+s25+$0x0], $0xffff  }
0x94: {  	v7 =	vld [tilespmem:s12+$0x10]  }
0x95: {  	s9 =	simm.s32 $0x5020;
	[tilespmem:s13+$0x0] =	vst v3;
	v0 =	vld.idx.msk [tilespmem:v6+s25+$0x0], $0xffff  }
0x96: {  	s11 =	simm.s32 $0x3060;
	[tilespmem:s9+$0x10] =	vst v8;
	v8 =	vld [tilespmem:s12+$0x0]  }
0x97: {  	v6 =	vld.idx.msk [tilespmem:v3+s28+$0x0], $0xffff;
	[tilespmem:s11+$0x10] =	vst v2  }
0x98: {  	[tilespmem:s11+$0xFFFFFFF0] =	vst v4;
	v12 =	vld.idx.msk [tilespmem:v2+s28+$0x0], $0xffff  }
0x99: {  	[tilespmem:s11+$0xFFFFFFE0] =	vst v5;
	v13 =	vld.idx.msk [tilespmem:v4+s28+$0x0], $0xffff  }
0x9a: {  	v3 =	vld.idx.msk [tilespmem:v10+s25+$0x0], $0xffff;
	[tilespmem:s9+$0xFFFFFFF0] =	vst v1  }
0x9b: {  	[tilespmem:s9+$0xFFFFFFE0] =	vst v9;
	v2 =	vld.idx.msk [tilespmem:v5+s28+$0x0], $0xffff  }
0x9c: {  	s10 =	simm.s32 $0x5060;
	[tilespmem:s11+$0x0] =	vst v0;
	v4 =	vld.idx.msk [tilespmem:v7+s25+$0x0], $0xffff  }
0x9d: {  	v5 =	vld.idx.msk [tilespmem:v11+s25+$0x0], $0xffff;
	[tilespmem:s10+$0x10] =	vst v12  }
0x9e: {  	s13 =	simm.s32 $0x10E0;
	s12 =	simm.s32 $0x80;
	v1 =	vld.idx.msk [tilespmem:v8+s25+$0x0], $0xffff;
	[tilespmem:s10+$0xFFFFFFF0] =	vst v13  }
.LBB2_4:
0x9f: {  	v7 =	vld [tilespmem:s13+$0x10];
	s12 =	sadd.s32 $0x40, s12;
	[tilespmem:s9+$0x0] =	vst v6;
	s9 =	smov.u32 s10  }
0xa0: {  	v8 =	vld [tilespmem:s13+$0xFFFFFFF0];
	p0 =	slt.u32 s12, $0xFC0;
	[tilespmem:s10+$0xFFFFFFE0] =	vst v2  }
0xa1: {  	s11 =	sadd.s32 $0x40, s11;
	v9 =	vld [tilespmem:s13+$0x0]  }
0xa2: {  	v10 =	vld [tilespmem:s13+$0xFFFFFFE0];
	[tilespmem:s11+$0x10] =	vst v4  }
0xa3: {  	[tilespmem:s11+$0xFFFFFFF0] =	vst v3;
	v11 =	vld.idx.msk [tilespmem:v4+s28+$0x0], $0xffff  }
0xa4: {  	[tilespmem:s11+$0xFFFFFFE0] =	vst v5;
	v12 =	vld.idx.msk [tilespmem:v3+s28+$0x0], $0xffff  }
0xa5: {  	[tilespmem:s11+$0x0] =	vst v1;
	v6 =	vld.idx.msk [tilespmem:v0+s28+$0x0], $0xffff;
	v0 =	vmov v1  }
.Ltmp1:
0xa6: {  	v2 =	vld.idx.msk [tilespmem:v5+s28+$0x0], $0xffff;
	(pc) =	sbr.rel @p0 .LBB2_4-.Ltmp1, $4  }
0xa7: {  	v4 =	vld.idx.msk [tilespmem:v7+s25+$0x0], $0xffff  }
0xa8: {  	s10 =	sadd.s32 $0x40, s10;
	v3 =	vld.idx.msk [tilespmem:v8+s25+$0x0], $0xffff  }
0xa9: {  	v1 =	vld.idx.msk [tilespmem:v9+s25+$0x0], $0xffff;
	[tilespmem:s10+$0x10] =	vst v11  }
0xaa: {  	s13 =	sadd.s32 $0x40, s13;
	v5 =	vld.idx.msk [tilespmem:v10+s25+$0x0], $0xffff;
	[tilespmem:s10+$0xFFFFFFF0] =	vst v12  }
0xab: {  	_ =	sdelay $0x2  }
0xac: {  	s11 =	sadd.s32 $0x40, s11;
	[tilespmem:s9+$0x0] =	vst v6  }
0xad: {  	v0 =	vld.idx.msk [tilespmem:v0+s28+$0x0], $0xffff;
	[tilespmem:s11+$0x10] =	vst v4  }
0xae: {  	[tilespmem:s11+$0xFFFFFFF0] =	vst v3;
	v4 =	vld.idx.msk [tilespmem:v4+s28+$0x0], $0xffff  }
0xaf: {  	v3 =	vld.idx.msk [tilespmem:v3+s28+$0x0], $0xffff;
	[tilespmem:s11+$0x0] =	vst v1  }
0xb0: {  	[tilespmem:s11+$0xFFFFFFE0] =	vst v5;
	v1 =	vld.idx.msk [tilespmem:v1+s28+$0x0], $0xffff  }
0xb1: {  	[tilespmem:s10+$0xFFFFFFE0] =	vst v2;
	v5 =	vld.idx.msk [tilespmem:v5+s28+$0x0], $0xffff  }
0xb2: {  	s13 =	sadd.s32 $0x40, s10;
	[tilespmem:s10+$0x0] =	vst v0  }
0xb3: {  	[tilespmem:s13+$0x10] =	vst v4  }
0xb4: {  	[tilespmem:s13+$0xFFFFFFF0] =	vst v3  }
0xb5: {  	[tilespmem:s13+$0x0] =	vst v1  }
0xb6: {  	[tilespmem:s13+$0xFFFFFFE0] =	vst v5  }
0xb7: {  	[hbm4b:s15+s23] =	stream.strided.scatter [tilespmem:s2], [sflag:$0x4], $0x1000, s24, s23, $0x38;
	[tilespmem:$0x1F738] =	vst v63  }
0xb8: {  	_ = 	snop  }
0xb9: {  	[hbm4b:s16+s23] =	stream.strided.scatter [tilespmem:s5], [sflag:$0x4], $0x1000, s24, s23, $0x38;
	[tilespmem:$0x1F738] =	vst v63  }
0xba: {  	_ =	swait.ge [sflag:s1], $0x1000  }
0xbb: {  	[sflag:s1] =	ssyncset.done $0x0  }
0xbc: {  	[sflag:s1] =	ssyncadd.s32 $0xFFFFF000  }
0xbd: {  	[tilespmem:s31], [sflag:$0x1] =	stream.linear.gather [spmem:s17], $0x1000, $0x38;
	[tilespmem:$0x1F738] =	vst v63  }
0xbe: {  	_ =	swait.ge [sflag:s7], $0x1000  }
0xbf: {  	[sflag:s7] =	ssyncset.done $0x0  }
0xc0: {  	[sflag:s7] =	ssyncadd.s32 $0xFFFFF000  }
0xc1: {  	_ =	swait.ge [sflag:s7], $0x1000  }
0xc2: {  	[sflag:s7] =	ssyncset.done $0x0  }
0xc3: {  	s11 =	simm.s32 $0x20;
	[sflag:s7] =	ssyncadd.s32 $0xFFFFF000  }
0xc4: {  	v0 =	vld [tilespmem:s11+$0x10]  }
0xc5: {  	v2 =	vld [tilespmem:s11+$0xFFFFFFE0];
	_ =	sdelay $0x2  }
0xc6: {  	v1 =	vld [tilespmem:s11+$0xFFFFFFF0]  }
0xc7: {  	s12 =	simm.s32 $0x60;
	v3 =	vld [tilespmem:s11+$0x0]  }
0xc8: {  	v4 =	vld [tilespmem:s12+$0x10]  }
0xc9: {  	v5 =	vld [tilespmem:s12+$0xFFFFFFF0]  }
0xca: {  	v0 =	vld.idx.msk [tilespmem:v0+s25+$0x0], $0xffff  }
0xcb: {  	v2 =	vld.idx.msk [tilespmem:v2+s25+$0x0], $0xffff  }
0xcc: {  	v6 =	vld [tilespmem:s12+$0x0]  }
0xcd: {  	v7 =	vld [tilespmem:s12+$0xFFFFFFE0]  }
0xce: {  	s12 =	simm.s32 $0xA0;
	v1 =	vld.idx.msk [tilespmem:v1+s25+$0x0], $0xffff  }
0xcf: {  	v10 =	vld [tilespmem:s12+$0xFFFFFFF0]  }
0xd0: {  	s13 =	simm.s32 $0x2020;
	v11 =	vld [tilespmem:s12+$0xFFFFFFE0]  }
0xd1: {  	v3 =	vld.idx.msk [tilespmem:v3+s25+$0x0], $0xffff;
	[tilespmem:s13+$0x10] =	vst v0  }
0xd2: {  	[tilespmem:s13+$0xFFFFFFE0] =	vst v2;
	v8 =	vld.idx.msk [tilespmem:v0+s28+$0x0], $0xffff  }
0xd3: {  	v9 =	vld.idx.msk [tilespmem:v2+s28+$0x0], $0xffff  }
0xd4: {  	v2 =	vld.idx.msk [tilespmem:v4+s25+$0x0], $0xffff  }
0xd5: {  	[tilespmem:s13+$0xFFFFFFF0] =	vst v1;
	v4 =	vld.idx.msk [tilespmem:v5+s25+$0x0], $0xffff  }
0xd6: {  	v1 =	vld.idx.msk [tilespmem:v1+s28+$0x0], $0xffff  }
0xd7: {  	v5 =	vld.idx.msk [tilespmem:v7+s25+$0x0], $0xffff  }
0xd8: {  	v7 =	vld [tilespmem:s12+$0x10]  }
0xd9: {  	s9 =	simm.s32 $0x4020;
	[tilespmem:s13+$0x0] =	vst v3;
	v0 =	vld.idx.msk [tilespmem:v6+s25+$0x0], $0xffff  }
0xda: {  	s11 =	simm.s32 $0x2060;
	[tilespmem:s9+$0x10] =	vst v8;
	v8 =	vld [tilespmem:s12+$0x0]  }
0xdb: {  	v6 =	vld.idx.msk [tilespmem:v3+s28+$0x0], $0xffff;
	[tilespmem:s11+$0x10] =	vst v2  }
0xdc: {  	[tilespmem:s11+$0xFFFFFFF0] =	vst v4;
	v12 =	vld.idx.msk [tilespmem:v2+s28+$0x0], $0xffff  }
0xdd: {  	[tilespmem:s11+$0xFFFFFFE0] =	vst v5;
	v13 =	vld.idx.msk [tilespmem:v4+s28+$0x0], $0xffff  }
0xde: {  	v3 =	vld.idx.msk [tilespmem:v10+s25+$0x0], $0xffff;
	[tilespmem:s9+$0xFFFFFFF0] =	vst v1  }
0xdf: {  	[tilespmem:s9+$0xFFFFFFE0] =	vst v9;
	v2 =	vld.idx.msk [tilespmem:v5+s28+$0x0], $0xffff  }
0xe0: {  	s10 =	simm.s32 $0x4060;
	[tilespmem:s11+$0x0] =	vst v0;
	v4 =	vld.idx.msk [tilespmem:v7+s25+$0x0], $0xffff  }
0xe1: {  	v5 =	vld.idx.msk [tilespmem:v11+s25+$0x0], $0xffff;
	[tilespmem:s10+$0x10] =	vst v12  }
0xe2: {  	s13 =	simm.s32 $0xE0;
	s12 =	simm.s32 $0x80;
	v1 =	vld.idx.msk [tilespmem:v8+s25+$0x0], $0xffff;
	[tilespmem:s10+$0xFFFFFFF0] =	vst v13  }
.LBB2_6:
0xe3: {  	v7 =	vld [tilespmem:s13+$0x10];
	s12 =	sadd.s32 $0x40, s12;
	[tilespmem:s9+$0x0] =	vst v6;
	s9 =	smov.u32 s10  }
0xe4: {  	v8 =	vld [tilespmem:s13+$0xFFFFFFF0];
	p0 =	slt.u32 s12, $0xFC0;
	[tilespmem:s10+$0xFFFFFFE0] =	vst v2  }
0xe5: {  	s11 =	sadd.s32 $0x40, s11;
	v9 =	vld [tilespmem:s13+$0x0]  }
0xe6: {  	v10 =	vld [tilespmem:s13+$0xFFFFFFE0];
	[tilespmem:s11+$0x10] =	vst v4  }
0xe7: {  	[tilespmem:s11+$0xFFFFFFF0] =	vst v3;
	v11 =	vld.idx.msk [tilespmem:v4+s28+$0x0], $0xffff  }
0xe8: {  	[tilespmem:s11+$0xFFFFFFE0] =	vst v5;
	v12 =	vld.idx.msk [tilespmem:v3+s28+$0x0], $0xffff  }
0xe9: {  	[tilespmem:s11+$0x0] =	vst v1;
	v6 =	vld.idx.msk [tilespmem:v0+s28+$0x0], $0xffff;
	v0 =	vmov v1  }
.Ltmp2:
0xea: {  	v2 =	vld.idx.msk [tilespmem:v5+s28+$0x0], $0xffff;
	(pc) =	sbr.rel @p0 .LBB2_6-.Ltmp2, $4  }
0xeb: {  	v4 =	vld.idx.msk [tilespmem:v7+s25+$0x0], $0xffff  }
0xec: {  	s10 =	sadd.s32 $0x40, s10;
	v3 =	vld.idx.msk [tilespmem:v8+s25+$0x0], $0xffff  }
0xed: {  	v1 =	vld.idx.msk [tilespmem:v9+s25+$0x0], $0xffff;
	[tilespmem:s10+$0x10] =	vst v11  }
0xee: {  	s13 =	sadd.s32 $0x40, s13;
	v5 =	vld.idx.msk [tilespmem:v10+s25+$0x0], $0xffff;
	[tilespmem:s10+$0xFFFFFFF0] =	vst v12  }
0xef: {  	_ =	sdelay $0x2  }
0xf0: {  	s11 =	sadd.s32 $0x40, s11;
	[tilespmem:s9+$0x0] =	vst v6  }
0xf1: {  	v0 =	vld.idx.msk [tilespmem:v0+s28+$0x0], $0xffff;
	[tilespmem:s11+$0x10] =	vst v4  }
0xf2: {  	[tilespmem:s11+$0xFFFFFFF0] =	vst v3;
	v4 =	vld.idx.msk [tilespmem:v4+s28+$0x0], $0xffff  }
0xf3: {  	v3 =	vld.idx.msk [tilespmem:v3+s28+$0x0], $0xffff;
	[tilespmem:s11+$0x0] =	vst v1  }
0xf4: {  	[tilespmem:s11+$0xFFFFFFE0] =	vst v5;
	v1 =	vld.idx.msk [tilespmem:v1+s28+$0x0], $0xffff  }
0xf5: {  	[tilespmem:s10+$0xFFFFFFE0] =	vst v2;
	v5 =	vld.idx.msk [tilespmem:v5+s28+$0x0], $0xffff  }
0xf6: {  	s13 =	sadd.s32 $0x40, s10;
	[tilespmem:s10+$0x0] =	vst v0  }
0xf7: {  	[tilespmem:s13+$0x10] =	vst v4  }
0xf8: {  	[tilespmem:s13+$0xFFFFFFF0] =	vst v3  }
0xf9: {  	[tilespmem:s13+$0x0] =	vst v1  }
0xfa: {  	[tilespmem:s13+$0xFFFFFFE0] =	vst v5  }
0xfb: {  	[hbm4b:s18+s23] =	stream.strided.scatter [tilespmem:s0], [sflag:$0x4], $0x1000, s24, s23, $0x38;
	[tilespmem:$0x1F738] =	vst v63  }
0xfc: {  	_ = 	snop  }
0xfd: {  	[hbm4b:s19+s23] =	stream.strided.scatter [tilespmem:s4], [sflag:$0x4], $0x1000, s24, s23, $0x38;
	[tilespmem:$0x1F738] =	vst v63  }
0xfe: {  	_ =	swait.ge [sflag:s1], $0x1000  }
0xff: {  	[sflag:s1] =	ssyncset.done $0x0  }
0x100: {  	[sflag:s1] =	ssyncadd.s32 $0xFFFFF000  }
0x101: {  	_ =	swait.ge [sflag:s7], $0x1000  }
0x102: {  	[sflag:s7] =	ssyncset.done $0x0  }
0x103: {  	[sflag:s7] =	ssyncadd.s32 $0xFFFFF000  }
0x104: {  	_ =	swait.ge [sflag:s7], $0x1000  }
0x105: {  	[sflag:s7] =	ssyncset.done $0x0  }
0x106: {  	s11 =	simm.s32 $0x1020;
	[sflag:s7] =	ssyncadd.s32 $0xFFFFF000  }
0x107: {  	v0 =	vld [tilespmem:s11+$0x10]  }
0x108: {  	v2 =	vld [tilespmem:s11+$0xFFFFFFE0];
	_ =	sdelay $0x2  }
0x109: {  	v1 =	vld [tilespmem:s11+$0xFFFFFFF0]  }
0x10a: {  	s12 =	simm.s32 $0x1060;
	v3 =	vld [tilespmem:s11+$0x0]  }
0x10b: {  	v4 =	vld [tilespmem:s12+$0x10]  }
0x10c: {  	v5 =	vld [tilespmem:s12+$0xFFFFFFF0]  }
0x10d: {  	v0 =	vld.idx.msk [tilespmem:v0+s25+$0x0], $0xffff  }
0x10e: {  	v2 =	vld.idx.msk [tilespmem:v2+s25+$0x0], $0xffff  }
0x10f: {  	v6 =	vld [tilespmem:s12+$0x0]  }
0x110: {  	v7 =	vld [tilespmem:s12+$0xFFFFFFE0]  }
0x111: {  	s12 =	simm.s32 $0x10A0;
	v1 =	vld.idx.msk [tilespmem:v1+s25+$0x0], $0xffff  }
0x112: {  	v10 =	vld [tilespmem:s12+$0xFFFFFFF0]  }
0x113: {  	s13 =	simm.s32 $0x3020;
	v11 =	vld [tilespmem:s12+$0xFFFFFFE0]  }
0x114: {  	v3 =	vld.idx.msk [tilespmem:v3+s25+$0x0], $0xffff;
	[tilespmem:s13+$0x10] =	vst v0  }
0x115: {  	[tilespmem:s13+$0xFFFFFFE0] =	vst v2;
	v8 =	vld.idx.msk [tilespmem:v0+s28+$0x0], $0xffff  }
0x116: {  	v9 =	vld.idx.msk [tilespmem:v2+s28+$0x0], $0xffff  }
0x117: {  	v2 =	vld.idx.msk [tilespmem:v4+s25+$0x0], $0xffff  }
0x118: {  	[tilespmem:s13+$0xFFFFFFF0] =	vst v1;
	v4 =	vld.idx.msk [tilespmem:v5+s25+$0x0], $0xffff  }
0x119: {  	v1 =	vld.idx.msk [tilespmem:v1+s28+$0x0], $0xffff  }
0x11a: {  	v5 =	vld.idx.msk [tilespmem:v7+s25+$0x0], $0xffff  }
0x11b: {  	v7 =	vld [tilespmem:s12+$0x10]  }
0x11c: {  	s9 =	simm.s32 $0x5020;
	[tilespmem:s13+$0x0] =	vst v3;
	v0 =	vld.idx.msk [tilespmem:v6+s25+$0x0], $0xffff  }
0x11d: {  	s11 =	simm.s32 $0x3060;
	[tilespmem:s9+$0x10] =	vst v8;
	v8 =	vld [tilespmem:s12+$0x0]  }
0x11e: {  	v6 =	vld.idx.msk [tilespmem:v3+s28+$0x0], $0xffff;
	[tilespmem:s11+$0x10] =	vst v2  }
0x11f: {  	[tilespmem:s11+$0xFFFFFFF0] =	vst v4;
	v12 =	vld.idx.msk [tilespmem:v2+s28+$0x0], $0xffff  }
0x120: {  	[tilespmem:s11+$0xFFFFFFE0] =	vst v5;
	v13 =	vld.idx.msk [tilespmem:v4+s28+$0x0], $0xffff  }
0x121: {  	v3 =	vld.idx.msk [tilespmem:v10+s25+$0x0], $0xffff;
	[tilespmem:s9+$0xFFFFFFF0] =	vst v1  }
0x122: {  	[tilespmem:s9+$0xFFFFFFE0] =	vst v9;
	v2 =	vld.idx.msk [tilespmem:v5+s28+$0x0], $0xffff  }
0x123: {  	s10 =	simm.s32 $0x5060;
	[tilespmem:s11+$0x0] =	vst v0;
	v4 =	vld.idx.msk [tilespmem:v7+s25+$0x0], $0xffff  }
0x124: {  	v5 =	vld.idx.msk [tilespmem:v11+s25+$0x0], $0xffff;
	[tilespmem:s10+$0x10] =	vst v12  }
0x125: {  	s13 =	simm.s32 $0x10E0;
	s12 =	simm.s32 $0x80;
	v1 =	vld.idx.msk [tilespmem:v8+s25+$0x0], $0xffff;
	[tilespmem:s10+$0xFFFFFFF0] =	vst v13  }
.LBB2_8:
0x126: {  	v7 =	vld [tilespmem:s13+$0x10];
	s12 =	sadd.s32 $0x40, s12;
	[tilespmem:s9+$0x0] =	vst v6;
	s9 =	smov.u32 s10  }
0x127: {  	v8 =	vld [tilespmem:s13+$0xFFFFFFF0];
	p0 =	slt.u32 s12, $0xFC0;
	[tilespmem:s10+$0xFFFFFFE0] =	vst v2  }
0x128: {  	s11 =	sadd.s32 $0x40, s11;
	v9 =	vld [tilespmem:s13+$0x0]  }
0x129: {  	v10 =	vld [tilespmem:s13+$0xFFFFFFE0];
	[tilespmem:s11+$0x10] =	vst v4  }
0x12a: {  	[tilespmem:s11+$0xFFFFFFF0] =	vst v3;
	v11 =	vld.idx.msk [tilespmem:v4+s28+$0x0], $0xffff  }
0x12b: {  	[tilespmem:s11+$0xFFFFFFE0] =	vst v5;
	v12 =	vld.idx.msk [tilespmem:v3+s28+$0x0], $0xffff  }
0x12c: {  	[tilespmem:s11+$0x0] =	vst v1;
	v6 =	vld.idx.msk [tilespmem:v0+s28+$0x0], $0xffff;
	v0 =	vmov v1  }
.Ltmp3:
0x12d: {  	v2 =	vld.idx.msk [tilespmem:v5+s28+$0x0], $0xffff;
	(pc) =	sbr.rel @p0 .LBB2_8-.Ltmp3, $4  }
0x12e: {  	v4 =	vld.idx.msk [tilespmem:v7+s25+$0x0], $0xffff  }
0x12f: {  	s10 =	sadd.s32 $0x40, s10;
	v3 =	vld.idx.msk [tilespmem:v8+s25+$0x0], $0xffff  }
0x130: {  	v1 =	vld.idx.msk [tilespmem:v9+s25+$0x0], $0xffff;
	[tilespmem:s10+$0x10] =	vst v11  }
0x131: {  	s13 =	sadd.s32 $0x40, s13;
	v5 =	vld.idx.msk [tilespmem:v10+s25+$0x0], $0xffff;
	[tilespmem:s10+$0xFFFFFFF0] =	vst v12  }
0x132: {  	_ =	sdelay $0x2  }
0x133: {  	s11 =	sadd.s32 $0x40, s11;
	[tilespmem:s9+$0x0] =	vst v6  }
0x134: {  	v0 =	vld.idx.msk [tilespmem:v0+s28+$0x0], $0xffff;
	[tilespmem:s11+$0x10] =	vst v4  }
0x135: {  	[tilespmem:s11+$0xFFFFFFF0] =	vst v3;
	v4 =	vld.idx.msk [tilespmem:v4+s28+$0x0], $0xffff  }
0x136: {  	v3 =	vld.idx.msk [tilespmem:v3+s28+$0x0], $0xffff;
	[tilespmem:s11+$0x0] =	vst v1  }
0x137: {  	[tilespmem:s11+$0xFFFFFFE0] =	vst v5;
	v1 =	vld.idx.msk [tilespmem:v1+s28+$0x0], $0xffff  }
0x138: {  	[tilespmem:s10+$0xFFFFFFE0] =	vst v2;
	v5 =	vld.idx.msk [tilespmem:v5+s28+$0x0], $0xffff  }
0x139: {  	s13 =	sadd.s32 $0x40, s10;
	[tilespmem:s10+$0x0] =	vst v0  }
0x13a: {  	[tilespmem:s13+$0x10] =	vst v4  }
0x13b: {  	[tilespmem:s13+$0xFFFFFFF0] =	vst v3  }
0x13c: {  	[tilespmem:s13+$0x0] =	vst v1  }
0x13d: {  	[tilespmem:s13+$0xFFFFFFE0] =	vst v5  }
0x13e: {  	[hbm4b:s20+s23] =	stream.strided.scatter [tilespmem:s2], [sflag:$0x4], $0x1000, s24, s23, $0x38;
	[tilespmem:$0x1F738] =	vst v63  }
0x13f: {  	_ = 	snop  }
0x140: {  	[hbm4b:s21+s23] =	stream.strided.scatter [tilespmem:s5], [sflag:$0x4], $0x1000, s24, s23, $0x38;
	[tilespmem:$0x1F738] =	vst v63  }
0x141: {  	_ =	swait.ge [sflag:s7], $0x1000  }
0x142: {  	[sflag:s7] =	ssyncset.done $0x0  }
0x143: {  	[sflag:s7] =	ssyncadd.s32 $0xFFFFF000  }
0x144: {  	_ =	swait.ge [sflag:s7], $0x1000  }
0x145: {  	[sflag:s7] =	ssyncset.done $0x0  }
0x146: {  	s8 =	sadd.s32 $0x1, s8;
	[sflag:s7] =	ssyncadd.s32 $0xFFFFF000  }
0x147: {  	p0 =	sne.s32 s8, s22;
	_ =	swait.ge [sflag:s7], $0x1000  }
.Ltmp4:
0x148: {  	[sflag:s7] =	ssyncset.done $0x0;
	(pc) =	sbr.rel @p0 .LBB2_1-.Ltmp4, $4  }
0x149: {  	[sflag:s7] =	ssyncadd.s32 $0xFFFFF000  }
0x14a: {  	_ =	swait.ge [sflag:s7], $0x1000  }
0x14b: {  	[sflag:s7] =	ssyncset.done $0x0  }
0x14c: {  	[sflag:s7] =	ssyncadd.s32 $0xFFFFF000  }
0x14d: {  	_ =	sfence.sel $0x180000  }
0x14e: {  	[bflag:$0x0] =	sbarrier.arrive $0xFFFF  }
0x14f: {  	_ =	strace $0x90000047  }
0x150: {  	s0 =	stileid.u32;
	[bflag:$0x2] =	sbarrier.arrive $0xFFFF  }
0x151: {  	p0 =	sne.s32 s0, $0x0;
	s0 =	rddreg [dreg:$0x6]  }
0x152: {  	s0 =	sadd.s32 @!p0 $0x100000, s0  }
0x153: {  	[sflag:s0] =	ssyncadd.tile.s32 @!p0 $0x1;
	_ =	shalt  }
.Lfunc_end2:
_tile_overlayer_lowered:
.L_overlay_start_2:
0x154: {  	(tag) =	ssettag $0x2  }
0x155: {  	s0 =	rddreg [dreg:$0x0];
	s2 =	stileid.u32  }
0x156: {  	s1 =	rddreg [dreg:$0x1];
	p0 =	sne.s32 s2, $0x0  }
0x157: {  	s3 =	rddreg [dreg:$0x2];
	[bflag:$0x3] =	sbarrier.arrive $0xFFFF;
	s2 =	simm.s32 @!p0 $0x1C05  }
0x158: {  	[timem:s3], [sflag:s2] =	dma.local @!p0 [hbm:s0], s1  }
0x159: {  	s0 =	simm.s32 @!p0 $0x5  }
0x15a: {  	_ =	swait.ge @!p0 [sflag:s0], s1  }
0x15b: {  	s1 =	ssub.s32 @!p0 $0x0, s1;
	[sflag:s0] =	ssyncset.done @!p0 $0x0  }
0x15c: {  	[sflag:s0] =	ssyncadd.s32 @!p0 s1  }
0x15d: {  	[bflag:$0x3] =	sbarrier.arrive $0xFFFF  }
0x15e: {  	_ =	shalt  }

</sc_bundles>
